<compile_context>
chip_gen: v7x
topology: tpu7x:2x2x1
jax: 0.10.2.dev20260603
libtpu: 0.0.44.dev20260713+nightly
codegen_flags: <defaults>
</compile_context>

<pallas_src>
import functools

import jax
import jax.numpy as jnp
from jax import lax
from jax.experimental import pallas as pl
from jax.experimental.pallas import tpu as pltpu
from jax.experimental.pallas import tpu_sc as plsc

NC = 2
NS = 16
NW = NC * NS
CB = 400


def _mesh():
    return plsc.VectorSubcoreMesh(core_axis_name="c", subcore_axis_name="s")


_SC_PARAMS = pltpu.CompilerParams(use_tc_tiling_on_sc=False)


@functools.lru_cache(maxsize=None)
def _make_histogram(E, N):
    EPW = E // NW
    NCH = EPW // CB
    assert EPW * NW == E and NCH * CB == EPW

    @functools.partial(
        pl.kernel,
        out_type=jax.ShapeDtypeStruct((NC, N, 1), jnp.float32),
        mesh=_mesh(),
        compiler_params=_SC_PARAMS,
        scratch_types=[
            pltpu.VMEM((NCH, CB), jnp.int32),
            pltpu.VMEM((CB, 1), jnp.float32),
            pltpu.VMEM_SHARED((N, 1), jnp.float32),
        ],
    )
    def hist(edges_hbm, zeros_hbm, ones_hbm, out_hbm, idx_v, ones_v, acc_sh):
        cid = lax.axis_index("c")
        sid = lax.axis_index("s")
        wid = cid * NS + sid
        pltpu.sync_copy(edges_hbm.at[1, wid], idx_v)
        pltpu.sync_copy(ones_hbm, ones_v)

        @pl.when(sid == 0)
        def _():
            pltpu.sync_copy(zeros_hbm, acc_sh)

        plsc.subcore_barrier()

        def body(j, carry):
            pltpu.sync_copy(ones_v, acc_sh.at[idx_v.at[j]], add=True)
            return carry

        lax.fori_loop(0, NCH, body, 0)
        plsc.subcore_barrier()

        @pl.when(sid == 0)
        def _():
            pltpu.sync_copy(acc_sh, out_hbm.at[cid])

    return hist


@functools.lru_cache(maxsize=None)
def _make_aggregate(E, N, F):
    EPW = E // NW
    NCH = EPW // CB
    assert EPW * NW == E and NCH * CB == EPW
    RPT = N // NS
    assert RPT * NS == N
    assert NCH % 2 == 1 and NCH >= 3
    NPAIR = (NCH - 3) // 2

    @functools.partial(
        pl.kernel,
        out_type=jax.ShapeDtypeStruct((NC, N, F), jnp.float32),
        mesh=_mesh(),
        compiler_params=_SC_PARAMS,
        scratch_types=[
            pltpu.VMEM((NCH, CB), jnp.int32),
            pltpu.VMEM((NCH, CB), jnp.int32),
            pltpu.VMEM((CB, F), jnp.float32),
            pltpu.VMEM((CB, F), jnp.float32),
            pltpu.VMEM_SHARED((N, F), jnp.float32),
            pltpu.SemaphoreType.DMA,
            pltpu.SemaphoreType.DMA,
        ],
    )
    def agg(y_hbm, edges_hbm, zeros_hbm, out_hbm,
            si_v, di_v, rows0, rows1, acc_sh, sem0, sem1):
        cid = lax.axis_index("c")
        sid = lax.axis_index("s")
        wid = cid * NS + sid
        pltpu.sync_copy(edges_hbm.at[0, wid], si_v)
        pltpu.sync_copy(edges_hbm.at[1, wid], di_v)
        pltpu.sync_copy(zeros_hbm, acc_sh.at[pl.ds(sid * RPT, RPT)])
        plsc.subcore_barrier()

        pltpu.async_copy(y_hbm.at[si_v.at[0]], rows0, sem0)
        pltpu.async_copy(y_hbm.at[si_v.at[1]], rows1, sem1)

        def body(i, carry):
            g = 2 * i
            pltpu.make_async_copy(y_hbm.at[si_v.at[g]], rows0, sem0).wait()
            pltpu.sync_copy(rows0, acc_sh.at[di_v.at[g]], add=True)
            pltpu.async_copy(y_hbm.at[si_v.at[g + 2]], rows0, sem0)
            pltpu.make_async_copy(y_hbm.at[si_v.at[g + 1]], rows1, sem1).wait()
            pltpu.sync_copy(rows1, acc_sh.at[di_v.at[g + 1]], add=True)
            pltpu.async_copy(y_hbm.at[si_v.at[g + 3]], rows1, sem1)
            return carry

        lax.fori_loop(0, NPAIR, body, 0)

        g0, g1, g2 = NCH - 3, NCH - 2, NCH - 1
        pltpu.make_async_copy(y_hbm.at[si_v.at[g0]], rows0, sem0).wait()
        pltpu.sync_copy(rows0, acc_sh.at[di_v.at[g0]], add=True)
        pltpu.async_copy(y_hbm.at[si_v.at[g2]], rows0, sem0)
        pltpu.make_async_copy(y_hbm.at[si_v.at[g1]], rows1, sem1).wait()
        pltpu.sync_copy(rows1, acc_sh.at[di_v.at[g1]], add=True)
        pltpu.make_async_copy(y_hbm.at[si_v.at[g2]], rows0, sem0).wait()
        pltpu.sync_copy(rows0, acc_sh.at[di_v.at[g2]], add=True)
        plsc.subcore_barrier()

        pltpu.sync_copy(acc_sh.at[pl.ds(sid * RPT, RPT)],
                        out_hbm.at[cid, pl.ds(sid * RPT, RPT)])

    return agg


def _tc_stage1(x, W1, counts):
    N, _ = x.shape
    H = W1.shape[1]

    def body(x_ref, w_ref, c_ref, y_ref, dinv_ref):
        deg = c_ref[0] + c_ref[1] + 1.0
        dinv = lax.rsqrt(deg)
        xw = jnp.dot(x_ref[...], w_ref[...], preferred_element_type=jnp.float32)
        y_ref[...] = xw * dinv
        dinv_ref[...] = dinv

    return pl.pallas_call(
        body,
        out_shape=(jax.ShapeDtypeStruct((N, H), jnp.float32),
                   jax.ShapeDtypeStruct((N, 1), jnp.float32)),
    )(x, W1, counts)


def _tc_stage2(z, y1, dinv, b1, W2):
    N, H = y1.shape
    C = W2.shape[1]

    def body(z_ref, y1_ref, dinv_ref, b1_ref, w2_ref, y2_ref):
        agg = (z_ref[0] + z_ref[1] + y1_ref[...]) * dinv_ref[...] + b1_ref[...]
        h = jnp.maximum(agg, 0.0)
        hw = jnp.dot(h, w2_ref[...], preferred_element_type=jnp.float32)
        y2_ref[...] = hw * dinv_ref[...]

    return pl.pallas_call(
        body,
        out_shape=jax.ShapeDtypeStruct((N, C), jnp.float32),
    )(z, y1, dinv, b1, W2)


def _tc_stage3(z, y2, dinv, b2):
    N, C = y2.shape

    def body(z_ref, y2_ref, dinv_ref, b2_ref, out_ref):
        logits = (z_ref[0] + z_ref[1] + y2_ref[...]) * dinv_ref[...] + b2_ref[...]
        m = jnp.max(logits, axis=1, keepdims=True)
        lse = jnp.log(jnp.sum(jnp.exp(logits - m), axis=1, keepdims=True)) + m
        out_ref[...] = logits - lse

    return pl.pallas_call(
        body,
        out_shape=jax.ShapeDtypeStruct((N, C), jnp.float32),
    )(z, y2, dinv, b2)


def kernel(x, edge_index, W1, b1, W2, b2):
    N, _ = x.shape
    E = edge_index.shape[1]
    H = W1.shape[1]
    C = W2.shape[1]
    NCH = E // (NW * CB)
    RPT = N // NS

    edges = edge_index.reshape(2, NW, NCH, CB)

    zeros_n = jnp.zeros((N, 1), jnp.float32)
    ones_cb = jnp.ones((CB, 1), jnp.float32)
    counts = _make_histogram(E, N)(edges, zeros_n, ones_cb)

    y1, dinv = _tc_stage1(x, W1, counts)

    zeros_h = jnp.zeros((RPT, H), jnp.float32)
    z1 = _make_aggregate(E, N, H)(y1, edges, zeros_h)

    y2 = _tc_stage2(z1, y1, dinv, b1.reshape(1, H), W2)

    zeros_c = jnp.zeros((RPT, C), jnp.float32)
    z2 = _make_aggregate(E, N, C)(y2, edges, zeros_c)

    return _tc_stage3(z2, y2, dinv, b2.reshape(1, C))

# --- scband reference (transcript-rebuilt; emitter-appended) ---
"""Pipeline reference for scband-gcnbase-9938554323112 (READ-ONLY COPY).

The authoritative reference and input builder live on the scoring server;
editing this copy changes nothing except your own understanding.
"""

import jax, jax.numpy as jnp
import numpy as np

N = 10000
E = 320000
D_IN = 128
HID = 64
NCLS = 40


def glorot(key, shape):
    fan_in, fan_out = shape[0], shape[1]
    limit = np.sqrt(6.0 / (fan_in + fan_out))
    return jax.random.uniform(key, shape, dtype=jnp.float32, minval=-limit, maxval=limit)


def setup_inputs(seed: int = 0):
    key = jax.random.key(seed)
    k1, k2, k3, k4 = jax.random.split(key, 4)
    x = jax.random.normal(k1, (N, D_IN), dtype=jnp.float32)
    edge_index = jax.random.randint(k2, (2, E), 0, N, dtype=jnp.int32)
    W1 = glorot(k3, (D_IN, HID))
    b1 = jnp.zeros((HID,), dtype=jnp.float32)
    W2 = glorot(k4, (HID, NCLS))
    b2 = jnp.zeros((NCLS,), dtype=jnp.float32)
    return {"x": x, "edge_index": edge_index, "W1": W1, "b1": b1, "W2": W2, "b2": b2}


def gcn_conv(x, edge_index, W, b):
    # PyG GCNConv: add self-loops, symmetric normalization D^-1/2 (A+I) D^-1/2 X W + b
    num_nodes = x.shape[0]
    loop = jnp.arange(num_nodes, dtype=edge_index.dtype)
    src = jnp.concatenate([edge_index[0], loop])
    dst = jnp.concatenate([edge_index[1], loop])
    xw = x @ W
    deg = jnp.zeros((num_nodes,), dtype=xw.dtype).at[dst].add(1.0)
    dinv = jnp.where(deg > 0, deg ** -0.5, 0.0)
    norm = dinv[src] * dinv[dst]
    msg = xw[src] * norm[:, None]
    out = jnp.zeros((num_nodes, W.shape[1]), dtype=xw.dtype).at[dst].add(msg)
    return out + b


def reference(x, edge_index, W1, b1, W2, b2):
    h = gcn_conv(x, edge_index, W1, b1)
    h = jax.nn.relu(h)
    # F.dropout with training=self.training is identity in eval mode
    h = gcn_conv(h, edge_index, W2, b2)
    return jax.nn.log_softmax(h, axis=1)

if __name__ == "__main__":
    import jax
    _d = setup_inputs()
    print(jax.jit(kernel)(*tuple(_d.values())))

</pallas_src>

<mosaic_0001>
#map = affine_map<(d0, d1) -> (0, 0)>
#map1 = affine_map<(d0, d1) -> (0, 0, 0, 0)>
#map2 = affine_map<(d0, d1) -> (0, 0, 0)>
module attributes {stable_mosaic.version = 14 : i64} {
  func.func @agg(%arg0: i32, %arg1: i32, %arg2: memref<10000x40xf32, #tpu.memory_space<hbm>>, %arg3: memref<2x32x25x400xi32, #tpu.memory_space<hbm>>, %arg4: memref<625x40xf32, #tpu.memory_space<hbm>>, %arg5: memref<2x10000x40xf32, #tpu.memory_space<hbm>>, %arg6: memref<25x400xi32, #tpu.memory_space<vmem>>, %arg7: memref<25x400xi32, #tpu.memory_space<vmem>>, %arg8: memref<400x40xf32, #tpu.memory_space<vmem>>, %arg9: memref<400x40xf32, #tpu.memory_space<vmem>>, %arg10: memref<10000x40xf32, #tpu.memory_space<vmem_shared>>, %arg11: memref<!tpu.dma_semaphore, #tpu.memory_space<semaphore_mem>>, %arg12: memref<!tpu.dma_semaphore, #tpu.memory_space<semaphore_mem>>) attributes {dimension_semantics = [#tpu.dimension_semantics<core_parallel>, #tpu.dimension_semantics<subcore_parallel>], iteration_bounds = array<i64: 2, 16>, scalar_prefetch = 0 : i64, scratch_operands = 7 : i64, tpu.core_type = #tpu.core_type<sc_vector_subcore>, window_params = [{transform_indices = #map}, {transform_indices = #map1}, {transform_indices = #map}, {transform_indices = #map2}]} {
    %mul3A = arith.constant 16 : i32
    %mul3A_0 = arith.muli %arg0, %mul3A : i32
    %add3A = arith.addi %mul3A_0, %arg1 : i32
    %run_scoped3A = arith.constant 0 : i32
    "tpu.region"() ({
      %run_scoped3A_57 = tpu.sem_alloc : memref<!tpu.dma_semaphore, #tpu.memory_space<semaphore_mem>>
      %dma_start3A_58 = arith.constant 0 : i32
      %dma_start3A_59 = arith.constant 0 : i32
      %dma_start3A_60 = tpu.memref_slice %arg3[%run_scoped3A, %add3A, %dma_start3A_58, %dma_start3A_59] : memref<2x32x25x400xi32, #tpu.memory_space<hbm>> -> memref<1x1x25x400xi32, #tpu.memory_space<hbm>>
      %dma_start3A_61 = tpu.memref_squeeze %dma_start3A_60 : memref<1x1x25x400xi32, #tpu.memory_space<hbm>> -> memref<25x400xi32, #tpu.memory_space<hbm>>
      %dma_start3A_62 = arith.constant 0 : i32
      %dma_start3A_63 = arith.constant 0 : i32
      %dma_start3A_64 = tpu.memref_slice %arg3[%run_scoped3A, %add3A, %dma_start3A_62, %dma_start3A_63] : memref<2x32x25x400xi32, #tpu.memory_space<hbm>> -> memref<1x1x25x400xi32, #tpu.memory_space<hbm>>
      %dma_start3A_65 = tpu.memref_squeeze %dma_start3A_64 : memref<1x1x25x400xi32, #tpu.memory_space<hbm>> -> memref<25x400xi32, #tpu.memory_space<hbm>>
      tpu.enqueue_dma source(%dma_start3A_65 : memref<25x400xi32, #tpu.memory_space<hbm>>) target(%arg6 : memref<25x400xi32, #tpu.memory_space<vmem>>) target_semaphore(%run_scoped3A_57 : memref<!tpu.dma_semaphore, #tpu.memory_space<semaphore_mem>>)
      %dma_wait3A_66 = arith.constant 0 : i32
      %dma_wait3A_67 = arith.constant 0 : i32
      %dma_wait3A_68 = tpu.memref_slice %arg3[%run_scoped3A, %add3A, %dma_wait3A_66, %dma_wait3A_67] : memref<2x32x25x400xi32, #tpu.memory_space<hbm>> -> memref<1x1x25x400xi32, #tpu.memory_space<hbm>>
      %dma_wait3A_69 = tpu.memref_squeeze %dma_wait3A_68 : memref<1x1x25x400xi32, #tpu.memory_space<hbm>> -> memref<25x400xi32, #tpu.memory_space<hbm>>
      %dma_wait3A_70 = arith.constant 0 : i32
      %dma_wait3A_71 = arith.constant 0 : i32
      %dma_wait3A_72 = tpu.memref_slice %arg3[%run_scoped3A, %add3A, %dma_wait3A_70, %dma_wait3A_71] : memref<2x32x25x400xi32, #tpu.memory_space<hbm>> -> memref<1x1x25x400xi32, #tpu.memory_space<hbm>>
      %dma_wait3A_73 = tpu.memref_squeeze %dma_wait3A_72 : memref<1x1x25x400xi32, #tpu.memory_space<hbm>> -> memref<25x400xi32, #tpu.memory_space<hbm>>
      tpu.wait_dma2 semaphore(%run_scoped3A_57 : memref<!tpu.dma_semaphore, #tpu.memory_space<semaphore_mem>>) src(%dma_wait3A_73 : memref<25x400xi32, #tpu.memory_space<hbm>>) dst(%arg6 : memref<25x400xi32, #tpu.memory_space<vmem>>)
      tpu.yield
    }) : () -> ()
    %run_scoped3A_1 = arith.constant 1 : i32
    "tpu.region"() ({
      %run_scoped3A_57 = tpu.sem_alloc : memref<!tpu.dma_semaphore, #tpu.memory_space<semaphore_mem>>
      %dma_start3A_58 = arith.constant 0 : i32
      %dma_start3A_59 = arith.constant 0 : i32
      %dma_start3A_60 = tpu.memref_slice %arg3[%run_scoped3A_1, %add3A, %dma_start3A_58, %dma_start3A_59] : memref<2x32x25x400xi32, #tpu.memory_space<hbm>> -> memref<1x1x25x400xi32, #tpu.memory_space<hbm>>
      %dma_start3A_61 = tpu.memref_squeeze %dma_start3A_60 : memref<1x1x25x400xi32, #tpu.memory_space<hbm>> -> memref<25x400xi32, #tpu.memory_space<hbm>>
      %dma_start3A_62 = arith.constant 0 : i32
      %dma_start3A_63 = arith.constant 0 : i32
      %dma_start3A_64 = tpu.memref_slice %arg3[%run_scoped3A_1, %add3A, %dma_start3A_62, %dma_start3A_63] : memref<2x32x25x400xi32, #tpu.memory_space<hbm>> -> memref<1x1x25x400xi32, #tpu.memory_space<hbm>>
      %dma_start3A_65 = tpu.memref_squeeze %dma_start3A_64 : memref<1x1x25x400xi32, #tpu.memory_space<hbm>> -> memref<25x400xi32, #tpu.memory_space<hbm>>
      tpu.enqueue_dma source(%dma_start3A_65 : memref<25x400xi32, #tpu.memory_space<hbm>>) target(%arg7 : memref<25x400xi32, #tpu.memory_space<vmem>>) target_semaphore(%run_scoped3A_57 : memref<!tpu.dma_semaphore, #tpu.memory_space<semaphore_mem>>)
      %dma_wait3A_66 = arith.constant 0 : i32
      %dma_wait3A_67 = arith.constant 0 : i32
      %dma_wait3A_68 = tpu.memref_slice %arg3[%run_scoped3A_1, %add3A, %dma_wait3A_66, %dma_wait3A_67] : memref<2x32x25x400xi32, #tpu.memory_space<hbm>> -> memref<1x1x25x400xi32, #tpu.memory_space<hbm>>
      %dma_wait3A_69 = tpu.memref_squeeze %dma_wait3A_68 : memref<1x1x25x400xi32, #tpu.memory_space<hbm>> -> memref<25x400xi32, #tpu.memory_space<hbm>>
      %dma_wait3A_70 = arith.constant 0 : i32
      %dma_wait3A_71 = arith.constant 0 : i32
      %dma_wait3A_72 = tpu.memref_slice %arg3[%run_scoped3A_1, %add3A, %dma_wait3A_70, %dma_wait3A_71] : memref<2x32x25x400xi32, #tpu.memory_space<hbm>> -> memref<1x1x25x400xi32, #tpu.memory_space<hbm>>
      %dma_wait3A_73 = tpu.memref_squeeze %dma_wait3A_72 : memref<1x1x25x400xi32, #tpu.memory_space<hbm>> -> memref<25x400xi32, #tpu.memory_space<hbm>>
      tpu.wait_dma2 semaphore(%run_scoped3A_57 : memref<!tpu.dma_semaphore, #tpu.memory_space<semaphore_mem>>) src(%dma_wait3A_73 : memref<25x400xi32, #tpu.memory_space<hbm>>) dst(%arg7 : memref<25x400xi32, #tpu.memory_space<vmem>>)
      tpu.yield
    }) : () -> ()
    %mul3A_2 = arith.constant 625 : i32
    %mul3A_3 = arith.muli %arg1, %mul3A_2 : i32
    "tpu.region"() ({
      %run_scoped3A_57 = tpu.sem_alloc : memref<!tpu.dma_semaphore, #tpu.memory_space<semaphore_mem>>
      %dma_start3A_58 = arith.constant 0 : i32
      %dma_start3A_59 = tpu.memref_slice %arg10[%mul3A_3, %dma_start3A_58] : memref<10000x40xf32, #tpu.memory_space<vmem_shared>> -> memref<625x40xf32, #tpu.memory_space<vmem_shared>>
      tpu.enqueue_dma source(%arg4 : memref<625x40xf32, #tpu.memory_space<hbm>>) target(%dma_start3A_59 : memref<625x40xf32, #tpu.memory_space<vmem_shared>>) target_semaphore(%run_scoped3A_57 : memref<!tpu.dma_semaphore, #tpu.memory_space<semaphore_mem>>)
      %dma_wait3A_60 = arith.constant 0 : i32
      %dma_wait3A_61 = tpu.memref_slice %arg10[%mul3A_3, %dma_wait3A_60] : memref<10000x40xf32, #tpu.memory_space<vmem_shared>> -> memref<625x40xf32, #tpu.memory_space<vmem_shared>>
      tpu.wait_dma2 semaphore(%run_scoped3A_57 : memref<!tpu.dma_semaphore, #tpu.memory_space<semaphore_mem>>) src(%arg4 : memref<625x40xf32, #tpu.memory_space<hbm>>) dst(%dma_wait3A_61 : memref<625x40xf32, #tpu.memory_space<vmem_shared>>)
      tpu.yield
    }) : () -> ()
    %barrier3A = arith.constant 0 : index
    tpu.barrier barrier_id(%barrier3A)
    %dma_start3A = arith.constant 0 : i32
    %dma_start3A_4 = arith.constant 0 : i32
    %dma_start3A_5 = tpu.memref_slice %arg6[%dma_start3A, %dma_start3A_4] : memref<25x400xi32, #tpu.memory_space<vmem>> -> memref<1x400xi32, #tpu.memory_space<vmem>>
    %dma_start3A_6 = tpu.memref_squeeze %dma_start3A_5 : memref<1x400xi32, #tpu.memory_space<vmem>> -> memref<400xi32, #tpu.memory_space<vmem>>
    %dma_start3A_7 = arith.constant 0 : i32
    %dma_start3A_8 = arith.constant 0 : i32
    %dma_start3A_9 = tpu.memref_slice %arg2[%dma_start3A_7, %dma_start3A_8] : memref<10000x40xf32, #tpu.memory_space<hbm>> -> memref<10000x40xf32, #tpu.memory_space<hbm>>
    tpu.enqueue_indirect_dma source(%dma_start3A_9 : memref<10000x40xf32, #tpu.memory_space<hbm>>) target(%arg8 : memref<400x40xf32, #tpu.memory_space<vmem>>) offsets(%dma_start3A_6 : memref<400xi32, #tpu.memory_space<vmem>>) semaphore(%arg11 : memref<!tpu.dma_semaphore, #tpu.memory_space<semaphore_mem>>)
    %dma_start3A_10 = arith.constant 1 : i32
    %dma_start3A_11 = arith.constant 0 : i32
    %dma_start3A_12 = tpu.memref_slice %arg6[%dma_start3A_10, %dma_start3A_11] : memref<25x400xi32, #tpu.memory_space<vmem>> -> memref<1x400xi32, #tpu.memory_space<vmem>>
    %dma_start3A_13 = tpu.memref_squeeze %dma_start3A_12 : memref<1x400xi32, #tpu.memory_space<vmem>> -> memref<400xi32, #tpu.memory_space<vmem>>
    %dma_start3A_14 = arith.constant 0 : i32
    %dma_start3A_15 = arith.constant 0 : i32
    %dma_start3A_16 = tpu.memref_slice %arg2[%dma_start3A_14, %dma_start3A_15] : memref<10000x40xf32, #tpu.memory_space<hbm>> -> memref<10000x40xf32, #tpu.memory_space<hbm>>
    tpu.enqueue_indirect_dma source(%dma_start3A_16 : memref<10000x40xf32, #tpu.memory_space<hbm>>) target(%arg9 : memref<400x40xf32, #tpu.memory_space<vmem>>) offsets(%dma_start3A_13 : memref<400xi32, #tpu.memory_space<vmem>>) semaphore(%arg12 : memref<!tpu.dma_semaphore, #tpu.memory_space<semaphore_mem>>)
    %scan3A = arith.constant 0 : i32
    %scan3A_17 = arith.constant 0 : i32
    %scan3A_18 = arith.constant 11 : i32
    %scan3A_19 = arith.addi %scan3A_17, %scan3A_18 : i32
    %scan3A_20 = arith.constant 1 : i32
    scf.for %scan3A_57 = %scan3A_17 to %scan3A_19 step %scan3A_20  : i32 {
      %mul3A_58 = arith.constant 2 : i32
      %mul3A_59 = arith.muli %mul3A_58, %scan3A_57 : i32
      %dma_wait3A_60 = arith.constant 0 : i32
      %dma_wait3A_61 = tpu.memref_slice %arg6[%mul3A_59, %dma_wait3A_60] : memref<25x400xi32, #tpu.memory_space<vmem>> -> memref<1x400xi32, #tpu.memory_space<vmem>>
      %dma_wait3A_62 = tpu.memref_squeeze %dma_wait3A_61 : memref<1x400xi32, #tpu.memory_space<vmem>> -> memref<400xi32, #tpu.memory_space<vmem>>
      %dma_wait3A_63 = arith.constant 0 : i32
      %dma_wait3A_64 = arith.constant 0 : i32
      %dma_wait3A_65 = tpu.memref_slice %arg2[%dma_wait3A_63, %dma_wait3A_64] : memref<10000x40xf32, #tpu.memory_space<hbm>> -> memref<10000x40xf32, #tpu.memory_space<hbm>>
      tpu.wait_indirect_dma semaphore(%arg11 : memref<!tpu.dma_semaphore, #tpu.memory_space<semaphore_mem>>) src(%dma_wait3A_65 : memref<10000x40xf32, #tpu.memory_space<hbm>>) dst(%arg8 : memref<400x40xf32, #tpu.memory_space<vmem>>)
      "tpu.region"() ({
        %run_scoped3A_92 = tpu.sem_alloc : memref<!tpu.dma_semaphore, #tpu.memory_space<semaphore_mem>>
        %dma_start3A_93 = arith.constant 0 : i32
        %dma_start3A_94 = tpu.memref_slice %arg7[%mul3A_59, %dma_start3A_93] : memref<25x400xi32, #tpu.memory_space<vmem>> -> memref<1x400xi32, #tpu.memory_space<vmem>>
        %dma_start3A_95 = tpu.memref_squeeze %dma_start3A_94 : memref<1x400xi32, #tpu.memory_space<vmem>> -> memref<400xi32, #tpu.memory_space<vmem>>
        %dma_start3A_96 = arith.constant 0 : i32
        %dma_start3A_97 = arith.constant 0 : i32
        %dma_start3A_98 = tpu.memref_slice %arg10[%dma_start3A_96, %dma_start3A_97] : memref<10000x40xf32, #tpu.memory_space<vmem_shared>> -> memref<10000x40xf32, #tpu.memory_space<vmem_shared>>
        tpu.enqueue_indirect_dma source(%arg8 : memref<400x40xf32, #tpu.memory_space<vmem>>) target(%dma_start3A_98 : memref<10000x40xf32, #tpu.memory_space<vmem_shared>>) offsets(%dma_start3A_95 : memref<400xi32, #tpu.memory_space<vmem>>) semaphore(%run_scoped3A_92 : memref<!tpu.dma_semaphore, #tpu.memory_space<semaphore_mem>>) {add = true}
        %dma_wait3A_99 = arith.constant 0 : i32
        %dma_wait3A_100 = tpu.memref_slice %arg7[%mul3A_59, %dma_wait3A_99] : memref<25x400xi32, #tpu.memory_space<vmem>> -> memref<1x400xi32, #tpu.memory_space<vmem>>
        %dma_wait3A_101 = tpu.memref_squeeze %dma_wait3A_100 : memref<1x400xi32, #tpu.memory_space<vmem>> -> memref<400xi32, #tpu.memory_space<vmem>>
        %dma_wait3A_102 = arith.constant 0 : i32
        %dma_wait3A_103 = arith.constant 0 : i32
        %dma_wait3A_104 = tpu.memref_slice %arg10[%dma_wait3A_102, %dma_wait3A_103] : memref<10000x40xf32, #tpu.memory_space<vmem_shared>> -> memref<10000x40xf32, #tpu.memory_space<vmem_shared>>
        tpu.wait_indirect_dma semaphore(%run_scoped3A_92 : memref<!tpu.dma_semaphore, #tpu.memory_space<semaphore_mem>>) src(%arg8 : memref<400x40xf32, #tpu.memory_space<vmem>>) dst(%dma_wait3A_104 : memref<10000x40xf32, #tpu.memory_space<vmem_shared>>)
        tpu.yield
      }) : () -> ()
      %add3A_66 = arith.constant 2 : i32
      %add3A_67 = arith.addi %mul3A_59, %add3A_66 : i32
      %dma_start3A_68 = arith.constant 0 : i32
      %dma_start3A_69 = tpu.memref_slice %arg6[%add3A_67, %dma_start3A_68] : memref<25x400xi32, #tpu.memory_space<vmem>> -> memref<1x400xi32, #tpu.memory_space<vmem>>
      %dma_start3A_70 = tpu.memref_squeeze %dma_start3A_69 : memref<1x400xi32, #tpu.memory_space<vmem>> -> memref<400xi32, #tpu.memory_space<vmem>>
      %dma_start3A_71 = arith.constant 0 : i32
      %dma_start3A_72 = arith.constant 0 : i32
      %dma_start3A_73 = tpu.memref_slice %arg2[%dma_start3A_71, %dma_start3A_72] : memref<10000x40xf32, #tpu.memory_space<hbm>> -> memref<10000x40xf32, #tpu.memory_space<hbm>>
      tpu.enqueue_indirect_dma source(%dma_start3A_73 : memref<10000x40xf32, #tpu.memory_space<hbm>>) target(%arg8 : memref<400x40xf32, #tpu.memory_space<vmem>>) offsets(%dma_start3A_70 : memref<400xi32, #tpu.memory_space<vmem>>) semaphore(%arg11 : memref<!tpu.dma_semaphore, #tpu.memory_space<semaphore_mem>>)
      %add3A_74 = arith.constant 1 : i32
      %add3A_75 = arith.addi %mul3A_59, %add3A_74 : i32
      %dma_wait3A_76 = arith.constant 0 : i32
      %dma_wait3A_77 = tpu.memref_slice %arg6[%add3A_75, %dma_wait3A_76] : memref<25x400xi32, #tpu.memory_space<vmem>> -> memref<1x400xi32, #tpu.memory_space<vmem>>
      %dma_wait3A_78 = tpu.memref_squeeze %dma_wait3A_77 : memref<1x400xi32, #tpu.memory_space<vmem>> -> memref<400xi32, #tpu.memory_space<vmem>>
      %dma_wait3A_79 = arith.constant 0 : i32
      %dma_wait3A_80 = arith.constant 0 : i32
      %dma_wait3A_81 = tpu.memref_slice %arg2[%dma_wait3A_79, %dma_wait3A_80] : memref<10000x40xf32, #tpu.memory_space<hbm>> -> memref<10000x40xf32, #tpu.memory_space<hbm>>
      tpu.wait_indirect_dma semaphore(%arg12 : memref<!tpu.dma_semaphore, #tpu.memory_space<semaphore_mem>>) src(%dma_wait3A_81 : memref<10000x40xf32, #tpu.memory_space<hbm>>) dst(%arg9 : memref<400x40xf32, #tpu.memory_space<vmem>>)
      %add3A_82 = arith.constant 1 : i32
      %add3A_83 = arith.addi %mul3A_59, %add3A_82 : i32
      "tpu.region"() ({
        %run_scoped3A_92 = tpu.sem_alloc : memref<!tpu.dma_semaphore, #tpu.memory_space<semaphore_mem>>
        %dma_start3A_93 = arith.constant 0 : i32
        %dma_start3A_94 = tpu.memref_slice %arg7[%add3A_83, %dma_start3A_93] : memref<25x400xi32, #tpu.memory_space<vmem>> -> memref<1x400xi32, #tpu.memory_space<vmem>>
        %dma_start3A_95 = tpu.memref_squeeze %dma_start3A_94 : memref<1x400xi32, #tpu.memory_space<vmem>> -> memref<400xi32, #tpu.memory_space<vmem>>
        %dma_start3A_96 = arith.constant 0 : i32
        %dma_start3A_97 = arith.constant 0 : i32
        %dma_start3A_98 = tpu.memref_slice %arg10[%dma_start3A_96, %dma_start3A_97] : memref<10000x40xf32, #tpu.memory_space<vmem_shared>> -> memref<10000x40xf32, #tpu.memory_space<vmem_shared>>
        tpu.enqueue_indirect_dma source(%arg9 : memref<400x40xf32, #tpu.memory_space<vmem>>) target(%dma_start3A_98 : memref<10000x40xf32, #tpu.memory_space<vmem_shared>>) offsets(%dma_start3A_95 : memref<400xi32, #tpu.memory_space<vmem>>) semaphore(%run_scoped3A_92 : memref<!tpu.dma_semaphore, #tpu.memory_space<semaphore_mem>>) {add = true}
        %dma_wait3A_99 = arith.constant 0 : i32
        %dma_wait3A_100 = tpu.memref_slice %arg7[%add3A_83, %dma_wait3A_99] : memref<25x400xi32, #tpu.memory_space<vmem>> -> memref<1x400xi32, #tpu.memory_space<vmem>>
        %dma_wait3A_101 = tpu.memref_squeeze %dma_wait3A_100 : memref<1x400xi32, #tpu.memory_space<vmem>> -> memref<400xi32, #tpu.memory_space<vmem>>
        %dma_wait3A_102 = arith.constant 0 : i32
        %dma_wait3A_103 = arith.constant 0 : i32
        %dma_wait3A_104 = tpu.memref_slice %arg10[%dma_wait3A_102, %dma_wait3A_103] : memref<10000x40xf32, #tpu.memory_space<vmem_shared>> -> memref<10000x40xf32, #tpu.memory_space<vmem_shared>>
        tpu.wait_indirect_dma semaphore(%run_scoped3A_92 : memref<!tpu.dma_semaphore, #tpu.memory_space<semaphore_mem>>) src(%arg9 : memref<400x40xf32, #tpu.memory_space<vmem>>) dst(%dma_wait3A_104 : memref<10000x40xf32, #tpu.memory_space<vmem_shared>>)
        tpu.yield
      }) : () -> ()
      %add3A_84 = arith.constant 3 : i32
      %add3A_85 = arith.addi %mul3A_59, %add3A_84 : i32
      %dma_start3A_86 = arith.constant 0 : i32
      %dma_start3A_87 = tpu.memref_slice %arg6[%add3A_85, %dma_start3A_86] : memref<25x400xi32, #tpu.memory_space<vmem>> -> memref<1x400xi32, #tpu.memory_space<vmem>>
      %dma_start3A_88 = tpu.memref_squeeze %dma_start3A_87 : memref<1x400xi32, #tpu.memory_space<vmem>> -> memref<400xi32, #tpu.memory_space<vmem>>
      %dma_start3A_89 = arith.constant 0 : i32
      %dma_start3A_90 = arith.constant 0 : i32
      %dma_start3A_91 = tpu.memref_slice %arg2[%dma_start3A_89, %dma_start3A_90] : memref<10000x40xf32, #tpu.memory_space<hbm>> -> memref<10000x40xf32, #tpu.memory_space<hbm>>
      tpu.enqueue_indirect_dma source(%dma_start3A_91 : memref<10000x40xf32, #tpu.memory_space<hbm>>) target(%arg9 : memref<400x40xf32, #tpu.memory_space<vmem>>) offsets(%dma_start3A_88 : memref<400xi32, #tpu.memory_space<vmem>>) semaphore(%arg12 : memref<!tpu.dma_semaphore, #tpu.memory_space<semaphore_mem>>)
    }
    %scan3A_21 = arith.constant 11 : i32
    %dma_wait3A = arith.constant 22 : i32
    %dma_wait3A_22 = arith.constant 0 : i32
    %dma_wait3A_23 = tpu.memref_slice %arg6[%dma_wait3A, %dma_wait3A_22] : memref<25x400xi32, #tpu.memory_space<vmem>> -> memref<1x400xi32, #tpu.memory_space<vmem>>
    %dma_wait3A_24 = tpu.memref_squeeze %dma_wait3A_23 : memref<1x400xi32, #tpu.memory_space<vmem>> -> memref<400xi32, #tpu.memory_space<vmem>>
    %dma_wait3A_25 = arith.constant 0 : i32
    %dma_wait3A_26 = arith.constant 0 : i32
    %dma_wait3A_27 = tpu.memref_slice %arg2[%dma_wait3A_25, %dma_wait3A_26] : memref<10000x40xf32, #tpu.memory_space<hbm>> -> memref<10000x40xf32, #tpu.memory_space<hbm>>
    tpu.wait_indirect_dma semaphore(%arg11 : memref<!tpu.dma_semaphore, #tpu.memory_space<semaphore_mem>>) src(%dma_wait3A_27 : memref<10000x40xf32, #tpu.memory_space<hbm>>) dst(%arg8 : memref<400x40xf32, #tpu.memory_space<vmem>>)
    %run_scoped3A_28 = arith.constant 22 : i32
    "tpu.region"() ({
      %run_scoped3A_57 = tpu.sem_alloc : memref<!tpu.dma_semaphore, #tpu.memory_space<semaphore_mem>>
      %dma_start3A_58 = arith.constant 0 : i32
      %dma_start3A_59 = tpu.memref_slice %arg7[%run_scoped3A_28, %dma_start3A_58] : memref<25x400xi32, #tpu.memory_space<vmem>> -> memref<1x400xi32, #tpu.memory_space<vmem>>
      %dma_start3A_60 = tpu.memref_squeeze %dma_start3A_59 : memref<1x400xi32, #tpu.memory_space<vmem>> -> memref<400xi32, #tpu.memory_space<vmem>>
      %dma_start3A_61 = arith.constant 0 : i32
      %dma_start3A_62 = arith.constant 0 : i32
      %dma_start3A_63 = tpu.memref_slice %arg10[%dma_start3A_61, %dma_start3A_62] : memref<10000x40xf32, #tpu.memory_space<vmem_shared>> -> memref<10000x40xf32, #tpu.memory_space<vmem_shared>>
      tpu.enqueue_indirect_dma source(%arg8 : memref<400x40xf32, #tpu.memory_space<vmem>>) target(%dma_start3A_63 : memref<10000x40xf32, #tpu.memory_space<vmem_shared>>) offsets(%dma_start3A_60 : memref<400xi32, #tpu.memory_space<vmem>>) semaphore(%run_scoped3A_57 : memref<!tpu.dma_semaphore, #tpu.memory_space<semaphore_mem>>) {add = true}
      %dma_wait3A_64 = arith.constant 0 : i32
      %dma_wait3A_65 = tpu.memref_slice %arg7[%run_scoped3A_28, %dma_wait3A_64] : memref<25x400xi32, #tpu.memory_space<vmem>> -> memref<1x400xi32, #tpu.memory_space<vmem>>
      %dma_wait3A_66 = tpu.memref_squeeze %dma_wait3A_65 : memref<1x400xi32, #tpu.memory_space<vmem>> -> memref<400xi32, #tpu.memory_space<vmem>>
      %dma_wait3A_67 = arith.constant 0 : i32
      %dma_wait3A_68 = arith.constant 0 : i32
      %dma_wait3A_69 = tpu.memref_slice %arg10[%dma_wait3A_67, %dma_wait3A_68] : memref<10000x40xf32, #tpu.memory_space<vmem_shared>> -> memref<10000x40xf32, #tpu.memory_space<vmem_shared>>
      tpu.wait_indirect_dma semaphore(%run_scoped3A_57 : memref<!tpu.dma_semaphore, #tpu.memory_space<semaphore_mem>>) src(%arg8 : memref<400x40xf32, #tpu.memory_space<vmem>>) dst(%dma_wait3A_69 : memref<10000x40xf32, #tpu.memory_space<vmem_shared>>)
      tpu.yield
    }) : () -> ()
    %dma_start3A_29 = arith.constant 24 : i32
    %dma_start3A_30 = arith.constant 0 : i32
    %dma_start3A_31 = tpu.memref_slice %arg6[%dma_start3A_29, %dma_start3A_30] : memref<25x400xi32, #tpu.memory_space<vmem>> -> memref<1x400xi32, #tpu.memory_space<vmem>>
    %dma_start3A_32 = tpu.memref_squeeze %dma_start3A_31 : memref<1x400xi32, #tpu.memory_space<vmem>> -> memref<400xi32, #tpu.memory_space<vmem>>
    %dma_start3A_33 = arith.constant 0 : i32
    %dma_start3A_34 = arith.constant 0 : i32
    %dma_start3A_35 = tpu.memref_slice %arg2[%dma_start3A_33, %dma_start3A_34] : memref<10000x40xf32, #tpu.memory_space<hbm>> -> memref<10000x40xf32, #tpu.memory_space<hbm>>
    tpu.enqueue_indirect_dma source(%dma_start3A_35 : memref<10000x40xf32, #tpu.memory_space<hbm>>) target(%arg8 : memref<400x40xf32, #tpu.memory_space<vmem>>) offsets(%dma_start3A_32 : memref<400xi32, #tpu.memory_space<vmem>>) semaphore(%arg11 : memref<!tpu.dma_semaphore, #tpu.memory_space<semaphore_mem>>)
    %dma_wait3A_36 = arith.constant 23 : i32
    %dma_wait3A_37 = arith.constant 0 : i32
    %dma_wait3A_38 = tpu.memref_slice %arg6[%dma_wait3A_36, %dma_wait3A_37] : memref<25x400xi32, #tpu.memory_space<vmem>> -> memref<1x400xi32, #tpu.memory_space<vmem>>
    %dma_wait3A_39 = tpu.memref_squeeze %dma_wait3A_38 : memref<1x400xi32, #tpu.memory_space<vmem>> -> memref<400xi32, #tpu.memory_space<vmem>>
    %dma_wait3A_40 = arith.constant 0 : i32
    %dma_wait3A_41 = arith.constant 0 : i32
    %dma_wait3A_42 = tpu.memref_slice %arg2[%dma_wait3A_40, %dma_wait3A_41] : memref<10000x40xf32, #tpu.memory_space<hbm>> -> memref<10000x40xf32, #tpu.memory_space<hbm>>
    tpu.wait_indirect_dma semaphore(%arg12 : memref<!tpu.dma_semaphore, #tpu.memory_space<semaphore_mem>>) src(%dma_wait3A_42 : memref<10000x40xf32, #tpu.memory_space<hbm>>) dst(%arg9 : memref<400x40xf32, #tpu.memory_space<vmem>>)
    %run_scoped3A_43 = arith.constant 23 : i32
    "tpu.region"() ({
      %run_scoped3A_57 = tpu.sem_alloc : memref<!tpu.dma_semaphore, #tpu.memory_space<semaphore_mem>>
      %dma_start3A_58 = arith.constant 0 : i32
      %dma_start3A_59 = tpu.memref_slice %arg7[%run_scoped3A_43, %dma_start3A_58] : memref<25x400xi32, #tpu.memory_space<vmem>> -> memref<1x400xi32, #tpu.memory_space<vmem>>
      %dma_start3A_60 = tpu.memref_squeeze %dma_start3A_59 : memref<1x400xi32, #tpu.memory_space<vmem>> -> memref<400xi32, #tpu.memory_space<vmem>>
      %dma_start3A_61 = arith.constant 0 : i32
      %dma_start3A_62 = arith.constant 0 : i32
      %dma_start3A_63 = tpu.memref_slice %arg10[%dma_start3A_61, %dma_start3A_62] : memref<10000x40xf32, #tpu.memory_space<vmem_shared>> -> memref<10000x40xf32, #tpu.memory_space<vmem_shared>>
      tpu.enqueue_indirect_dma source(%arg9 : memref<400x40xf32, #tpu.memory_space<vmem>>) target(%dma_start3A_63 : memref<10000x40xf32, #tpu.memory_space<vmem_shared>>) offsets(%dma_start3A_60 : memref<400xi32, #tpu.memory_space<vmem>>) semaphore(%run_scoped3A_57 : memref<!tpu.dma_semaphore, #tpu.memory_space<semaphore_mem>>) {add = true}
      %dma_wait3A_64 = arith.constant 0 : i32
      %dma_wait3A_65 = tpu.memref_slice %arg7[%run_scoped3A_43, %dma_wait3A_64] : memref<25x400xi32, #tpu.memory_space<vmem>> -> memref<1x400xi32, #tpu.memory_space<vmem>>
      %dma_wait3A_66 = tpu.memref_squeeze %dma_wait3A_65 : memref<1x400xi32, #tpu.memory_space<vmem>> -> memref<400xi32, #tpu.memory_space<vmem>>
      %dma_wait3A_67 = arith.constant 0 : i32
      %dma_wait3A_68 = arith.constant 0 : i32
      %dma_wait3A_69 = tpu.memref_slice %arg10[%dma_wait3A_67, %dma_wait3A_68] : memref<10000x40xf32, #tpu.memory_space<vmem_shared>> -> memref<10000x40xf32, #tpu.memory_space<vmem_shared>>
      tpu.wait_indirect_dma semaphore(%run_scoped3A_57 : memref<!tpu.dma_semaphore, #tpu.memory_space<semaphore_mem>>) src(%arg9 : memref<400x40xf32, #tpu.memory_space<vmem>>) dst(%dma_wait3A_69 : memref<10000x40xf32, #tpu.memory_space<vmem_shared>>)
      tpu.yield
    }) : () -> ()
    %dma_wait3A_44 = arith.constant 24 : i32
    %dma_wait3A_45 = arith.constant 0 : i32
    %dma_wait3A_46 = tpu.memref_slice %arg6[%dma_wait3A_44, %dma_wait3A_45] : memref<25x400xi32, #tpu.memory_space<vmem>> -> memref<1x400xi32, #tpu.memory_space<vmem>>
    %dma_wait3A_47 = tpu.memref_squeeze %dma_wait3A_46 : memref<1x400xi32, #tpu.memory_space<vmem>> -> memref<400xi32, #tpu.memory_space<vmem>>
    %dma_wait3A_48 = arith.constant 0 : i32
    %dma_wait3A_49 = arith.constant 0 : i32
    %dma_wait3A_50 = tpu.memref_slice %arg2[%dma_wait3A_48, %dma_wait3A_49] : memref<10000x40xf32, #tpu.memory_space<hbm>> -> memref<10000x40xf32, #tpu.memory_space<hbm>>
    tpu.wait_indirect_dma semaphore(%arg11 : memref<!tpu.dma_semaphore, #tpu.memory_space<semaphore_mem>>) src(%dma_wait3A_50 : memref<10000x40xf32, #tpu.memory_space<hbm>>) dst(%arg8 : memref<400x40xf32, #tpu.memory_space<vmem>>)
    %run_scoped3A_51 = arith.constant 24 : i32
    "tpu.region"() ({
      %run_scoped3A_57 = tpu.sem_alloc : memref<!tpu.dma_semaphore, #tpu.memory_space<semaphore_mem>>
      %dma_start3A_58 = arith.constant 0 : i32
      %dma_start3A_59 = tpu.memref_slice %arg7[%run_scoped3A_51, %dma_start3A_58] : memref<25x400xi32, #tpu.memory_space<vmem>> -> memref<1x400xi32, #tpu.memory_space<vmem>>
      %dma_start3A_60 = tpu.memref_squeeze %dma_start3A_59 : memref<1x400xi32, #tpu.memory_space<vmem>> -> memref<400xi32, #tpu.memory_space<vmem>>
      %dma_start3A_61 = arith.constant 0 : i32
      %dma_start3A_62 = arith.constant 0 : i32
      %dma_start3A_63 = tpu.memref_slice %arg10[%dma_start3A_61, %dma_start3A_62] : memref<10000x40xf32, #tpu.memory_space<vmem_shared>> -> memref<10000x40xf32, #tpu.memory_space<vmem_shared>>
      tpu.enqueue_indirect_dma source(%arg8 : memref<400x40xf32, #tpu.memory_space<vmem>>) target(%dma_start3A_63 : memref<10000x40xf32, #tpu.memory_space<vmem_shared>>) offsets(%dma_start3A_60 : memref<400xi32, #tpu.memory_space<vmem>>) semaphore(%run_scoped3A_57 : memref<!tpu.dma_semaphore, #tpu.memory_space<semaphore_mem>>) {add = true}
      %dma_wait3A_64 = arith.constant 0 : i32
      %dma_wait3A_65 = tpu.memref_slice %arg7[%run_scoped3A_51, %dma_wait3A_64] : memref<25x400xi32, #tpu.memory_space<vmem>> -> memref<1x400xi32, #tpu.memory_space<vmem>>
      %dma_wait3A_66 = tpu.memref_squeeze %dma_wait3A_65 : memref<1x400xi32, #tpu.memory_space<vmem>> -> memref<400xi32, #tpu.memory_space<vmem>>
      %dma_wait3A_67 = arith.constant 0 : i32
      %dma_wait3A_68 = arith.constant 0 : i32
      %dma_wait3A_69 = tpu.memref_slice %arg10[%dma_wait3A_67, %dma_wait3A_68] : memref<10000x40xf32, #tpu.memory_space<vmem_shared>> -> memref<10000x40xf32, #tpu.memory_space<vmem_shared>>
      tpu.wait_indirect_dma semaphore(%run_scoped3A_57 : memref<!tpu.dma_semaphore, #tpu.memory_space<semaphore_mem>>) src(%arg8 : memref<400x40xf32, #tpu.memory_space<vmem>>) dst(%dma_wait3A_69 : memref<10000x40xf32, #tpu.memory_space<vmem_shared>>)
      tpu.yield
    }) : () -> ()
    %barrier3A_52 = arith.constant 0 : index
    tpu.barrier barrier_id(%barrier3A_52)
    %mul3A_53 = arith.constant 625 : i32
    %mul3A_54 = arith.muli %arg1, %mul3A_53 : i32
    %mul3A_55 = arith.constant 625 : i32
    %mul3A_56 = arith.muli %arg1, %mul3A_55 : i32
    "tpu.region"() ({
      %run_scoped3A_57 = tpu.sem_alloc : memref<!tpu.dma_semaphore, #tpu.memory_space<semaphore_mem>>
      %dma_start3A_58 = arith.constant 0 : i32
      %dma_start3A_59 = tpu.memref_slice %arg5[%arg0, %mul3A_56, %dma_start3A_58] : memref<2x10000x40xf32, #tpu.memory_space<hbm>> -> memref<1x625x40xf32, #tpu.memory_space<hbm>>
      %dma_start3A_60 = tpu.memref_squeeze %dma_start3A_59 : memref<1x625x40xf32, #tpu.memory_space<hbm>> -> memref<625x40xf32, #tpu.memory_space<hbm>>
      %dma_start3A_61 = arith.constant 0 : i32
      %dma_start3A_62 = tpu.memref_slice %arg10[%mul3A_54, %dma_start3A_61] : memref<10000x40xf32, #tpu.memory_space<vmem_shared>> -> memref<625x40xf32, #tpu.memory_space<vmem_shared>>
      tpu.enqueue_dma source(%dma_start3A_62 : memref<625x40xf32, #tpu.memory_space<vmem_shared>>) target(%dma_start3A_60 : memref<625x40xf32, #tpu.memory_space<hbm>>) target_semaphore(%run_scoped3A_57 : memref<!tpu.dma_semaphore, #tpu.memory_space<semaphore_mem>>)
      %dma_wait3A_63 = arith.constant 0 : i32
      %dma_wait3A_64 = tpu.memref_slice %arg5[%arg0, %mul3A_56, %dma_wait3A_63] : memref<2x10000x40xf32, #tpu.memory_space<hbm>> -> memref<1x625x40xf32, #tpu.memory_space<hbm>>
      %dma_wait3A_65 = tpu.memref_squeeze %dma_wait3A_64 : memref<1x625x40xf32, #tpu.memory_space<hbm>> -> memref<625x40xf32, #tpu.memory_space<hbm>>
      %dma_wait3A_66 = arith.constant 0 : i32
      %dma_wait3A_67 = tpu.memref_slice %arg10[%mul3A_54, %dma_wait3A_66] : memref<10000x40xf32, #tpu.memory_space<vmem_shared>> -> memref<625x40xf32, #tpu.memory_space<vmem_shared>>
      tpu.wait_dma2 semaphore(%run_scoped3A_57 : memref<!tpu.dma_semaphore, #tpu.memory_space<semaphore_mem>>) src(%dma_wait3A_67 : memref<625x40xf32, #tpu.memory_space<vmem_shared>>) dst(%dma_wait3A_65 : memref<625x40xf32, #tpu.memory_space<hbm>>)
      tpu.yield
    }) : () -> ()
    return
  }
}

#map = affine_map<(d0, d1) -> (0, 0)>
#map1 = affine_map<(d0, d1) -> (0, 0, 0, 0)>
#map2 = affine_map<(d0, d1) -> (0, 0, 0)>
module attributes {stable_mosaic.version = 14 : i64} {
  func.func @agg(%arg0: i32, %arg1: i32, %arg2: memref<10000x64xf32, #tpu.memory_space<hbm>>, %arg3: memref<2x32x25x400xi32, #tpu.memory_space<hbm>>, %arg4: memref<625x64xf32, #tpu.memory_space<hbm>>, %arg5: memref<2x10000x64xf32, #tpu.memory_space<hbm>>, %arg6: memref<25x400xi32, #tpu.memory_space<vmem>>, %arg7: memref<25x400xi32, #tpu.memory_space<vmem>>, %arg8: memref<400x64xf32, #tpu.memory_space<vmem>>, %arg9: memref<400x64xf32, #tpu.memory_space<vmem>>, %arg10: memref<10000x64xf32, #tpu.memory_space<vmem_shared>>, %arg11: memref<!tpu.dma_semaphore, #tpu.memory_space<semaphore_mem>>, %arg12: memref<!tpu.dma_semaphore, #tpu.memory_space<semaphore_mem>>) attributes {dimension_semantics = [#tpu.dimension_semantics<core_parallel>, #tpu.dimension_semantics<subcore_parallel>], iteration_bounds = array<i64: 2, 16>, scalar_prefetch = 0 : i64, scratch_operands = 7 : i64, tpu.core_type = #tpu.core_type<sc_vector_subcore>, window_params = [{transform_indices = #map}, {transform_indices = #map1}, {transform_indices = #map}, {transform_indices = #map2}]} {
    %mul3A = arith.constant 16 : i32
    %mul3A_0 = arith.muli %arg0, %mul3A : i32
    %add3A = arith.addi %mul3A_0, %arg1 : i32
    %run_scoped3A = arith.constant 0 : i32
    "tpu.region"() ({
      %run_scoped3A_57 = tpu.sem_alloc : memref<!tpu.dma_semaphore, #tpu.memory_space<semaphore_mem>>
      %dma_start3A_58 = arith.constant 0 : i32
      %dma_start3A_59 = arith.constant 0 : i32
      %dma_start3A_60 = tpu.memref_slice %arg3[%run_scoped3A, %add3A, %dma_start3A_58, %dma_start3A_59] : memref<2x32x25x400xi32, #tpu.memory_space<hbm>> -> memref<1x1x25x400xi32, #tpu.memory_space<hbm>>
      %dma_start3A_61 = tpu.memref_squeeze %dma_start3A_60 : memref<1x1x25x400xi32, #tpu.memory_space<hbm>> -> memref<25x400xi32, #tpu.memory_space<hbm>>
      %dma_start3A_62 = arith.constant 0 : i32
      %dma_start3A_63 = arith.constant 0 : i32
      %dma_start3A_64 = tpu.memref_slice %arg3[%run_scoped3A, %add3A, %dma_start3A_62, %dma_start3A_63] : memref<2x32x25x400xi32, #tpu.memory_space<hbm>> -> memref<1x1x25x400xi32, #tpu.memory_space<hbm>>
      %dma_start3A_65 = tpu.memref_squeeze %dma_start3A_64 : memref<1x1x25x400xi32, #tpu.memory_space<hbm>> -> memref<25x400xi32, #tpu.memory_space<hbm>>
      tpu.enqueue_dma source(%dma_start3A_65 : memref<25x400xi32, #tpu.memory_space<hbm>>) target(%arg6 : memref<25x400xi32, #tpu.memory_space<vmem>>) target_semaphore(%run_scoped3A_57 : memref<!tpu.dma_semaphore, #tpu.memory_space<semaphore_mem>>)
      %dma_wait3A_66 = arith.constant 0 : i32
      %dma_wait3A_67 = arith.constant 0 : i32
      %dma_wait3A_68 = tpu.memref_slice %arg3[%run_scoped3A, %add3A, %dma_wait3A_66, %dma_wait3A_67] : memref<2x32x25x400xi32, #tpu.memory_space<hbm>> -> memref<1x1x25x400xi32, #tpu.memory_space<hbm>>
      %dma_wait3A_69 = tpu.memref_squeeze %dma_wait3A_68 : memref<1x1x25x400xi32, #tpu.memory_space<hbm>> -> memref<25x400xi32, #tpu.memory_space<hbm>>
      %dma_wait3A_70 = arith.constant 0 : i32
      %dma_wait3A_71 = arith.constant 0 : i32
      %dma_wait3A_72 = tpu.memref_slice %arg3[%run_scoped3A, %add3A, %dma_wait3A_70, %dma_wait3A_71] : memref<2x32x25x400xi32, #tpu.memory_space<hbm>> -> memref<1x1x25x400xi32, #tpu.memory_space<hbm>>
      %dma_wait3A_73 = tpu.memref_squeeze %dma_wait3A_72 : memref<1x1x25x400xi32, #tpu.memory_space<hbm>> -> memref<25x400xi32, #tpu.memory_space<hbm>>
      tpu.wait_dma2 semaphore(%run_scoped3A_57 : memref<!tpu.dma_semaphore, #tpu.memory_space<semaphore_mem>>) src(%dma_wait3A_73 : memref<25x400xi32, #tpu.memory_space<hbm>>) dst(%arg6 : memref<25x400xi32, #tpu.memory_space<vmem>>)
      tpu.yield
    }) : () -> ()
    %run_scoped3A_1 = arith.constant 1 : i32
    "tpu.region"() ({
      %run_scoped3A_57 = tpu.sem_alloc : memref<!tpu.dma_semaphore, #tpu.memory_space<semaphore_mem>>
      %dma_start3A_58 = arith.constant 0 : i32
      %dma_start3A_59 = arith.constant 0 : i32
      %dma_start3A_60 = tpu.memref_slice %arg3[%run_scoped3A_1, %add3A, %dma_start3A_58, %dma_start3A_59] : memref<2x32x25x400xi32, #tpu.memory_space<hbm>> -> memref<1x1x25x400xi32, #tpu.memory_space<hbm>>
      %dma_start3A_61 = tpu.memref_squeeze %dma_start3A_60 : memref<1x1x25x400xi32, #tpu.memory_space<hbm>> -> memref<25x400xi32, #tpu.memory_space<hbm>>
      %dma_start3A_62 = arith.constant 0 : i32
      %dma_start3A_63 = arith.constant 0 : i32
      %dma_start3A_64 = tpu.memref_slice %arg3[%run_scoped3A_1, %add3A, %dma_start3A_62, %dma_start3A_63] : memref<2x32x25x400xi32, #tpu.memory_space<hbm>> -> memref<1x1x25x400xi32, #tpu.memory_space<hbm>>
      %dma_start3A_65 = tpu.memref_squeeze %dma_start3A_64 : memref<1x1x25x400xi32, #tpu.memory_space<hbm>> -> memref<25x400xi32, #tpu.memory_space<hbm>>
      tpu.enqueue_dma source(%dma_start3A_65 : memref<25x400xi32, #tpu.memory_space<hbm>>) target(%arg7 : memref<25x400xi32, #tpu.memory_space<vmem>>) target_semaphore(%run_scoped3A_57 : memref<!tpu.dma_semaphore, #tpu.memory_space<semaphore_mem>>)
      %dma_wait3A_66 = arith.constant 0 : i32
      %dma_wait3A_67 = arith.constant 0 : i32
      %dma_wait3A_68 = tpu.memref_slice %arg3[%run_scoped3A_1, %add3A, %dma_wait3A_66, %dma_wait3A_67] : memref<2x32x25x400xi32, #tpu.memory_space<hbm>> -> memref<1x1x25x400xi32, #tpu.memory_space<hbm>>
      %dma_wait3A_69 = tpu.memref_squeeze %dma_wait3A_68 : memref<1x1x25x400xi32, #tpu.memory_space<hbm>> -> memref<25x400xi32, #tpu.memory_space<hbm>>
      %dma_wait3A_70 = arith.constant 0 : i32
      %dma_wait3A_71 = arith.constant 0 : i32
      %dma_wait3A_72 = tpu.memref_slice %arg3[%run_scoped3A_1, %add3A, %dma_wait3A_70, %dma_wait3A_71] : memref<2x32x25x400xi32, #tpu.memory_space<hbm>> -> memref<1x1x25x400xi32, #tpu.memory_space<hbm>>
      %dma_wait3A_73 = tpu.memref_squeeze %dma_wait3A_72 : memref<1x1x25x400xi32, #tpu.memory_space<hbm>> -> memref<25x400xi32, #tpu.memory_space<hbm>>
      tpu.wait_dma2 semaphore(%run_scoped3A_57 : memref<!tpu.dma_semaphore, #tpu.memory_space<semaphore_mem>>) src(%dma_wait3A_73 : memref<25x400xi32, #tpu.memory_space<hbm>>) dst(%arg7 : memref<25x400xi32, #tpu.memory_space<vmem>>)
      tpu.yield
    }) : () -> ()
    %mul3A_2 = arith.constant 625 : i32
    %mul3A_3 = arith.muli %arg1, %mul3A_2 : i32
    "tpu.region"() ({
      %run_scoped3A_57 = tpu.sem_alloc : memref<!tpu.dma_semaphore, #tpu.memory_space<semaphore_mem>>
      %dma_start3A_58 = arith.constant 0 : i32
      %dma_start3A_59 = tpu.memref_slice %arg10[%mul3A_3, %dma_start3A_58] : memref<10000x64xf32, #tpu.memory_space<vmem_shared>> -> memref<625x64xf32, #tpu.memory_space<vmem_shared>>
      tpu.enqueue_dma source(%arg4 : memref<625x64xf32, #tpu.memory_space<hbm>>) target(%dma_start3A_59 : memref<625x64xf32, #tpu.memory_space<vmem_shared>>) target_semaphore(%run_scoped3A_57 : memref<!tpu.dma_semaphore, #tpu.memory_space<semaphore_mem>>)
      %dma_wait3A_60 = arith.constant 0 : i32
      %dma_wait3A_61 = tpu.memref_slice %arg10[%mul3A_3, %dma_wait3A_60] : memref<10000x64xf32, #tpu.memory_space<vmem_shared>> -> memref<625x64xf32, #tpu.memory_space<vmem_shared>>
      tpu.wait_dma2 semaphore(%run_scoped3A_57 : memref<!tpu.dma_semaphore, #tpu.memory_space<semaphore_mem>>) src(%arg4 : memref<625x64xf32, #tpu.memory_space<hbm>>) dst(%dma_wait3A_61 : memref<625x64xf32, #tpu.memory_space<vmem_shared>>)
      tpu.yield
    }) : () -> ()
    %barrier3A = arith.constant 0 : index
    tpu.barrier barrier_id(%barrier3A)
    %dma_start3A = arith.constant 0 : i32
    %dma_start3A_4 = arith.constant 0 : i32
    %dma_start3A_5 = tpu.memref_slice %arg6[%dma_start3A, %dma_start3A_4] : memref<25x400xi32, #tpu.memory_space<vmem>> -> memref<1x400xi32, #tpu.memory_space<vmem>>
    %dma_start3A_6 = tpu.memref_squeeze %dma_start3A_5 : memref<1x400xi32, #tpu.memory_space<vmem>> -> memref<400xi32, #tpu.memory_space<vmem>>
    %dma_start3A_7 = arith.constant 0 : i32
    %dma_start3A_8 = arith.constant 0 : i32
    %dma_start3A_9 = tpu.memref_slice %arg2[%dma_start3A_7, %dma_start3A_8] : memref<10000x64xf32, #tpu.memory_space<hbm>> -> memref<10000x64xf32, #tpu.memory_space<hbm>>
    tpu.enqueue_indirect_dma source(%dma_start3A_9 : memref<10000x64xf32, #tpu.memory_space<hbm>>) target(%arg8 : memref<400x64xf32, #tpu.memory_space<vmem>>) offsets(%dma_start3A_6 : memref<400xi32, #tpu.memory_space<vmem>>) semaphore(%arg11 : memref<!tpu.dma_semaphore, #tpu.memory_space<semaphore_mem>>)
    %dma_start3A_10 = arith.constant 1 : i32
    %dma_start3A_11 = arith.constant 0 : i32
    %dma_start3A_12 = tpu.memref_slice %arg6[%dma_start3A_10, %dma_start3A_11] : memref<25x400xi32, #tpu.memory_space<vmem>> -> memref<1x400xi32, #tpu.memory_space<vmem>>
    %dma_start3A_13 = tpu.memref_squeeze %dma_start3A_12 : memref<1x400xi32, #tpu.memory_space<vmem>> -> memref<400xi32, #tpu.memory_space<vmem>>
    %dma_start3A_14 = arith.constant 0 : i32
    %dma_start3A_15 = arith.constant 0 : i32
    %dma_start3A_16 = tpu.memref_slice %arg2[%dma_start3A_14, %dma_start3A_15] : memref<10000x64xf32, #tpu.memory_space<hbm>> -> memref<10000x64xf32, #tpu.memory_space<hbm>>
    tpu.enqueue_indirect_dma source(%dma_start3A_16 : memref<10000x64xf32, #tpu.memory_space<hbm>>) target(%arg9 : memref<400x64xf32, #tpu.memory_space<vmem>>) offsets(%dma_start3A_13 : memref<400xi32, #tpu.memory_space<vmem>>) semaphore(%arg12 : memref<!tpu.dma_semaphore, #tpu.memory_space<semaphore_mem>>)
    %scan3A = arith.constant 0 : i32
    %scan3A_17 = arith.constant 0 : i32
    %scan3A_18 = arith.constant 11 : i32
    %scan3A_19 = arith.addi %scan3A_17, %scan3A_18 : i32
    %scan3A_20 = arith.constant 1 : i32
    scf.for %scan3A_57 = %scan3A_17 to %scan3A_19 step %scan3A_20  : i32 {
      %mul3A_58 = arith.constant 2 : i32
      %mul3A_59 = arith.muli %mul3A_58, %scan3A_57 : i32
      %dma_wait3A_60 = arith.constant 0 : i32
      %dma_wait3A_61 = tpu.memref_slice %arg6[%mul3A_59, %dma_wait3A_60] : memref<25x400xi32, #tpu.memory_space<vmem>> -> memref<1x400xi32, #tpu.memory_space<vmem>>
      %dma_wait3A_62 = tpu.memref_squeeze %dma_wait3A_61 : memref<1x400xi32, #tpu.memory_space<vmem>> -> memref<400xi32, #tpu.memory_space<vmem>>
      %dma_wait3A_63 = arith.constant 0 : i32
      %dma_wait3A_64 = arith.constant 0 : i32
      %dma_wait3A_65 = tpu.memref_slice %arg2[%dma_wait3A_63, %dma_wait3A_64] : memref<10000x64xf32, #tpu.memory_space<hbm>> -> memref<10000x64xf32, #tpu.memory_space<hbm>>
      tpu.wait_indirect_dma semaphore(%arg11 : memref<!tpu.dma_semaphore, #tpu.memory_space<semaphore_mem>>) src(%dma_wait3A_65 : memref<10000x64xf32, #tpu.memory_space<hbm>>) dst(%arg8 : memref<400x64xf32, #tpu.memory_space<vmem>>)
      "tpu.region"() ({
        %run_scoped3A_92 = tpu.sem_alloc : memref<!tpu.dma_semaphore, #tpu.memory_space<semaphore_mem>>
        %dma_start3A_93 = arith.constant 0 : i32
        %dma_start3A_94 = tpu.memref_slice %arg7[%mul3A_59, %dma_start3A_93] : memref<25x400xi32, #tpu.memory_space<vmem>> -> memref<1x400xi32, #tpu.memory_space<vmem>>
        %dma_start3A_95 = tpu.memref_squeeze %dma_start3A_94 : memref<1x400xi32, #tpu.memory_space<vmem>> -> memref<400xi32, #tpu.memory_space<vmem>>
        %dma_start3A_96 = arith.constant 0 : i32
        %dma_start3A_97 = arith.constant 0 : i32
        %dma_start3A_98 = tpu.memref_slice %arg10[%dma_start3A_96, %dma_start3A_97] : memref<10000x64xf32, #tpu.memory_space<vmem_shared>> -> memref<10000x64xf32, #tpu.memory_space<vmem_shared>>
        tpu.enqueue_indirect_dma source(%arg8 : memref<400x64xf32, #tpu.memory_space<vmem>>) target(%dma_start3A_98 : memref<10000x64xf32, #tpu.memory_space<vmem_shared>>) offsets(%dma_start3A_95 : memref<400xi32, #tpu.memory_space<vmem>>) semaphore(%run_scoped3A_92 : memref<!tpu.dma_semaphore, #tpu.memory_space<semaphore_mem>>) {add = true}
        %dma_wait3A_99 = arith.constant 0 : i32
        %dma_wait3A_100 = tpu.memref_slice %arg7[%mul3A_59, %dma_wait3A_99] : memref<25x400xi32, #tpu.memory_space<vmem>> -> memref<1x400xi32, #tpu.memory_space<vmem>>
        %dma_wait3A_101 = tpu.memref_squeeze %dma_wait3A_100 : memref<1x400xi32, #tpu.memory_space<vmem>> -> memref<400xi32, #tpu.memory_space<vmem>>
        %dma_wait3A_102 = arith.constant 0 : i32
        %dma_wait3A_103 = arith.constant 0 : i32
        %dma_wait3A_104 = tpu.memref_slice %arg10[%dma_wait3A_102, %dma_wait3A_103] : memref<10000x64xf32, #tpu.memory_space<vmem_shared>> -> memref<10000x64xf32, #tpu.memory_space<vmem_shared>>
        tpu.wait_indirect_dma semaphore(%run_scoped3A_92 : memref<!tpu.dma_semaphore, #tpu.memory_space<semaphore_mem>>) src(%arg8 : memref<400x64xf32, #tpu.memory_space<vmem>>) dst(%dma_wait3A_104 : memref<10000x64xf32, #tpu.memory_space<vmem_shared>>)
        tpu.yield
      }) : () -> ()
      %add3A_66 = arith.constant 2 : i32
      %add3A_67 = arith.addi %mul3A_59, %add3A_66 : i32
      %dma_start3A_68 = arith.constant 0 : i32
      %dma_start3A_69 = tpu.memref_slice %arg6[%add3A_67, %dma_start3A_68] : memref<25x400xi32, #tpu.memory_space<vmem>> -> memref<1x400xi32, #tpu.memory_space<vmem>>
      %dma_start3A_70 = tpu.memref_squeeze %dma_start3A_69 : memref<1x400xi32, #tpu.memory_space<vmem>> -> memref<400xi32, #tpu.memory_space<vmem>>
      %dma_start3A_71 = arith.constant 0 : i32
      %dma_start3A_72 = arith.constant 0 : i32
      %dma_start3A_73 = tpu.memref_slice %arg2[%dma_start3A_71, %dma_start3A_72] : memref<10000x64xf32, #tpu.memory_space<hbm>> -> memref<10000x64xf32, #tpu.memory_space<hbm>>
      tpu.enqueue_indirect_dma source(%dma_start3A_73 : memref<10000x64xf32, #tpu.memory_space<hbm>>) target(%arg8 : memref<400x64xf32, #tpu.memory_space<vmem>>) offsets(%dma_start3A_70 : memref<400xi32, #tpu.memory_space<vmem>>) semaphore(%arg11 : memref<!tpu.dma_semaphore, #tpu.memory_space<semaphore_mem>>)
      %add3A_74 = arith.constant 1 : i32
      %add3A_75 = arith.addi %mul3A_59, %add3A_74 : i32
      %dma_wait3A_76 = arith.constant 0 : i32
      %dma_wait3A_77 = tpu.memref_slice %arg6[%add3A_75, %dma_wait3A_76] : memref<25x400xi32, #tpu.memory_space<vmem>> -> memref<1x400xi32, #tpu.memory_space<vmem>>
      %dma_wait3A_78 = tpu.memref_squeeze %dma_wait3A_77 : memref<1x400xi32, #tpu.memory_space<vmem>> -> memref<400xi32, #tpu.memory_space<vmem>>
      %dma_wait3A_79 = arith.constant 0 : i32
      %dma_wait3A_80 = arith.constant 0 : i32
      %dma_wait3A_81 = tpu.memref_slice %arg2[%dma_wait3A_79, %dma_wait3A_80] : memref<10000x64xf32, #tpu.memory_space<hbm>> -> memref<10000x64xf32, #tpu.memory_space<hbm>>
      tpu.wait_indirect_dma semaphore(%arg12 : memref<!tpu.dma_semaphore, #tpu.memory_space<semaphore_mem>>) src(%dma_wait3A_81 : memref<10000x64xf32, #tpu.memory_space<hbm>>) dst(%arg9 : memref<400x64xf32, #tpu.memory_space<vmem>>)
      %add3A_82 = arith.constant 1 : i32
      %add3A_83 = arith.addi %mul3A_59, %add3A_82 : i32
      "tpu.region"() ({
        %run_scoped3A_92 = tpu.sem_alloc : memref<!tpu.dma_semaphore, #tpu.memory_space<semaphore_mem>>
        %dma_start3A_93 = arith.constant 0 : i32
        %dma_start3A_94 = tpu.memref_slice %arg7[%add3A_83, %dma_start3A_93] : memref<25x400xi32, #tpu.memory_space<vmem>> -> memref<1x400xi32, #tpu.memory_space<vmem>>
        %dma_start3A_95 = tpu.memref_squeeze %dma_start3A_94 : memref<1x400xi32, #tpu.memory_space<vmem>> -> memref<400xi32, #tpu.memory_space<vmem>>
        %dma_start3A_96 = arith.constant 0 : i32
        %dma_start3A_97 = arith.constant 0 : i32
        %dma_start3A_98 = tpu.memref_slice %arg10[%dma_start3A_96, %dma_start3A_97] : memref<10000x64xf32, #tpu.memory_space<vmem_shared>> -> memref<10000x64xf32, #tpu.memory_space<vmem_shared>>
        tpu.enqueue_indirect_dma source(%arg9 : memref<400x64xf32, #tpu.memory_space<vmem>>) target(%dma_start3A_98 : memref<10000x64xf32, #tpu.memory_space<vmem_shared>>) offsets(%dma_start3A_95 : memref<400xi32, #tpu.memory_space<vmem>>) semaphore(%run_scoped3A_92 : memref<!tpu.dma_semaphore, #tpu.memory_space<semaphore_mem>>) {add = true}
        %dma_wait3A_99 = arith.constant 0 : i32
        %dma_wait3A_100 = tpu.memref_slice %arg7[%add3A_83, %dma_wait3A_99] : memref<25x400xi32, #tpu.memory_space<vmem>> -> memref<1x400xi32, #tpu.memory_space<vmem>>
        %dma_wait3A_101 = tpu.memref_squeeze %dma_wait3A_100 : memref<1x400xi32, #tpu.memory_space<vmem>> -> memref<400xi32, #tpu.memory_space<vmem>>
        %dma_wait3A_102 = arith.constant 0 : i32
        %dma_wait3A_103 = arith.constant 0 : i32
        %dma_wait3A_104 = tpu.memref_slice %arg10[%dma_wait3A_102, %dma_wait3A_103] : memref<10000x64xf32, #tpu.memory_space<vmem_shared>> -> memref<10000x64xf32, #tpu.memory_space<vmem_shared>>
        tpu.wait_indirect_dma semaphore(%run_scoped3A_92 : memref<!tpu.dma_semaphore, #tpu.memory_space<semaphore_mem>>) src(%arg9 : memref<400x64xf32, #tpu.memory_space<vmem>>) dst(%dma_wait3A_104 : memref<10000x64xf32, #tpu.memory_space<vmem_shared>>)
        tpu.yield
      }) : () -> ()
      %add3A_84 = arith.constant 3 : i32
      %add3A_85 = arith.addi %mul3A_59, %add3A_84 : i32
      %dma_start3A_86 = arith.constant 0 : i32
      %dma_start3A_87 = tpu.memref_slice %arg6[%add3A_85, %dma_start3A_86] : memref<25x400xi32, #tpu.memory_space<vmem>> -> memref<1x400xi32, #tpu.memory_space<vmem>>
      %dma_start3A_88 = tpu.memref_squeeze %dma_start3A_87 : memref<1x400xi32, #tpu.memory_space<vmem>> -> memref<400xi32, #tpu.memory_space<vmem>>
      %dma_start3A_89 = arith.constant 0 : i32
      %dma_start3A_90 = arith.constant 0 : i32
      %dma_start3A_91 = tpu.memref_slice %arg2[%dma_start3A_89, %dma_start3A_90] : memref<10000x64xf32, #tpu.memory_space<hbm>> -> memref<10000x64xf32, #tpu.memory_space<hbm>>
      tpu.enqueue_indirect_dma source(%dma_start3A_91 : memref<10000x64xf32, #tpu.memory_space<hbm>>) target(%arg9 : memref<400x64xf32, #tpu.memory_space<vmem>>) offsets(%dma_start3A_88 : memref<400xi32, #tpu.memory_space<vmem>>) semaphore(%arg12 : memref<!tpu.dma_semaphore, #tpu.memory_space<semaphore_mem>>)
    }
    %scan3A_21 = arith.constant 11 : i32
    %dma_wait3A = arith.constant 22 : i32
    %dma_wait3A_22 = arith.constant 0 : i32
    %dma_wait3A_23 = tpu.memref_slice %arg6[%dma_wait3A, %dma_wait3A_22] : memref<25x400xi32, #tpu.memory_space<vmem>> -> memref<1x400xi32, #tpu.memory_space<vmem>>
    %dma_wait3A_24 = tpu.memref_squeeze %dma_wait3A_23 : memref<1x400xi32, #tpu.memory_space<vmem>> -> memref<400xi32, #tpu.memory_space<vmem>>
    %dma_wait3A_25 = arith.constant 0 : i32
    %dma_wait3A_26 = arith.constant 0 : i32
    %dma_wait3A_27 = tpu.memref_slice %arg2[%dma_wait3A_25, %dma_wait3A_26] : memref<10000x64xf32, #tpu.memory_space<hbm>> -> memref<10000x64xf32, #tpu.memory_space<hbm>>
    tpu.wait_indirect_dma semaphore(%arg11 : memref<!tpu.dma_semaphore, #tpu.memory_space<semaphore_mem>>) src(%dma_wait3A_27 : memref<10000x64xf32, #tpu.memory_space<hbm>>) dst(%arg8 : memref<400x64xf32, #tpu.memory_space<vmem>>)
    %run_scoped3A_28 = arith.constant 22 : i32
    "tpu.region"() ({
      %run_scoped3A_57 = tpu.sem_alloc : memref<!tpu.dma_semaphore, #tpu.memory_space<semaphore_mem>>
      %dma_start3A_58 = arith.constant 0 : i32
      %dma_start3A_59 = tpu.memref_slice %arg7[%run_scoped3A_28, %dma_start3A_58] : memref<25x400xi32, #tpu.memory_space<vmem>> -> memref<1x400xi32, #tpu.memory_space<vmem>>
      %dma_start3A_60 = tpu.memref_squeeze %dma_start3A_59 : memref<1x400xi32, #tpu.memory_space<vmem>> -> memref<400xi32, #tpu.memory_space<vmem>>
      %dma_start3A_61 = arith.constant 0 : i32
      %dma_start3A_62 = arith.constant 0 : i32
      %dma_start3A_63 = tpu.memref_slice %arg10[%dma_start3A_61, %dma_start3A_62] : memref<10000x64xf32, #tpu.memory_space<vmem_shared>> -> memref<10000x64xf32, #tpu.memory_space<vmem_shared>>
      tpu.enqueue_indirect_dma source(%arg8 : memref<400x64xf32, #tpu.memory_space<vmem>>) target(%dma_start3A_63 : memref<10000x64xf32, #tpu.memory_space<vmem_shared>>) offsets(%dma_start3A_60 : memref<400xi32, #tpu.memory_space<vmem>>) semaphore(%run_scoped3A_57 : memref<!tpu.dma_semaphore, #tpu.memory_space<semaphore_mem>>) {add = true}
      %dma_wait3A_64 = arith.constant 0 : i32
      %dma_wait3A_65 = tpu.memref_slice %arg7[%run_scoped3A_28, %dma_wait3A_64] : memref<25x400xi32, #tpu.memory_space<vmem>> -> memref<1x400xi32, #tpu.memory_space<vmem>>
      %dma_wait3A_66 = tpu.memref_squeeze %dma_wait3A_65 : memref<1x400xi32, #tpu.memory_space<vmem>> -> memref<400xi32, #tpu.memory_space<vmem>>
      %dma_wait3A_67 = arith.constant 0 : i32
      %dma_wait3A_68 = arith.constant 0 : i32
      %dma_wait3A_69 = tpu.memref_slice %arg10[%dma_wait3A_67, %dma_wait3A_68] : memref<10000x64xf32, #tpu.memory_space<vmem_shared>> -> memref<10000x64xf32, #tpu.memory_space<vmem_shared>>
      tpu.wait_indirect_dma semaphore(%run_scoped3A_57 : memref<!tpu.dma_semaphore, #tpu.memory_space<semaphore_mem>>) src(%arg8 : memref<400x64xf32, #tpu.memory_space<vmem>>) dst(%dma_wait3A_69 : memref<10000x64xf32, #tpu.memory_space<vmem_shared>>)
      tpu.yield
    }) : () -> ()
    %dma_start3A_29 = arith.constant 24 : i32
    %dma_start3A_30 = arith.constant 0 : i32
    %dma_start3A_31 = tpu.memref_slice %arg6[%dma_start3A_29, %dma_start3A_30] : memref<25x400xi32, #tpu.memory_space<vmem>> -> memref<1x400xi32, #tpu.memory_space<vmem>>
    %dma_start3A_32 = tpu.memref_squeeze %dma_start3A_31 : memref<1x400xi32, #tpu.memory_space<vmem>> -> memref<400xi32, #tpu.memory_space<vmem>>
    %dma_start3A_33 = arith.constant 0 : i32
    %dma_start3A_34 = arith.constant 0 : i32
    %dma_start3A_35 = tpu.memref_slice %arg2[%dma_start3A_33, %dma_start3A_34] : memref<10000x64xf32, #tpu.memory_space<hbm>> -> memref<10000x64xf32, #tpu.memory_space<hbm>>
    tpu.enqueue_indirect_dma source(%dma_start3A_35 : memref<10000x64xf32, #tpu.memory_space<hbm>>) target(%arg8 : memref<400x64xf32, #tpu.memory_space<vmem>>) offsets(%dma_start3A_32 : memref<400xi32, #tpu.memory_space<vmem>>) semaphore(%arg11 : memref<!tpu.dma_semaphore, #tpu.memory_space<semaphore_mem>>)
    %dma_wait3A_36 = arith.constant 23 : i32
    %dma_wait3A_37 = arith.constant 0 : i32
    %dma_wait3A_38 = tpu.memref_slice %arg6[%dma_wait3A_36, %dma_wait3A_37] : memref<25x400xi32, #tpu.memory_space<vmem>> -> memref<1x400xi32, #tpu.memory_space<vmem>>
    %dma_wait3A_39 = tpu.memref_squeeze %dma_wait3A_38 : memref<1x400xi32, #tpu.memory_space<vmem>> -> memref<400xi32, #tpu.memory_space<vmem>>
    %dma_wait3A_40 = arith.constant 0 : i32
    %dma_wait3A_41 = arith.constant 0 : i32
    %dma_wait3A_42 = tpu.memref_slice %arg2[%dma_wait3A_40, %dma_wait3A_41] : memref<10000x64xf32, #tpu.memory_space<hbm>> -> memref<10000x64xf32, #tpu.memory_space<hbm>>
    tpu.wait_indirect_dma semaphore(%arg12 : memref<!tpu.dma_semaphore, #tpu.memory_space<semaphore_mem>>) src(%dma_wait3A_42 : memref<10000x64xf32, #tpu.memory_space<hbm>>) dst(%arg9 : memref<400x64xf32, #tpu.memory_space<vmem>>)
    %run_scoped3A_43 = arith.constant 23 : i32
    "tpu.region"() ({
      %run_scoped3A_57 = tpu.sem_alloc : memref<!tpu.dma_semaphore, #tpu.memory_space<semaphore_mem>>
      %dma_start3A_58 = arith.constant 0 : i32
      %dma_start3A_59 = tpu.memref_slice %arg7[%run_scoped3A_43, %dma_start3A_58] : memref<25x400xi32, #tpu.memory_space<vmem>> -> memref<1x400xi32, #tpu.memory_space<vmem>>
      %dma_start3A_60 = tpu.memref_squeeze %dma_start3A_59 : memref<1x400xi32, #tpu.memory_space<vmem>> -> memref<400xi32, #tpu.memory_space<vmem>>
      %dma_start3A_61 = arith.constant 0 : i32
      %dma_start3A_62 = arith.constant 0 : i32
      %dma_start3A_63 = tpu.memref_slice %arg10[%dma_start3A_61, %dma_start3A_62] : memref<10000x64xf32, #tpu.memory_space<vmem_shared>> -> memref<10000x64xf32, #tpu.memory_space<vmem_shared>>
      tpu.enqueue_indirect_dma source(%arg9 : memref<400x64xf32, #tpu.memory_space<vmem>>) target(%dma_start3A_63 : memref<10000x64xf32, #tpu.memory_space<vmem_shared>>) offsets(%dma_start3A_60 : memref<400xi32, #tpu.memory_space<vmem>>) semaphore(%run_scoped3A_57 : memref<!tpu.dma_semaphore, #tpu.memory_space<semaphore_mem>>) {add = true}
      %dma_wait3A_64 = arith.constant 0 : i32
      %dma_wait3A_65 = tpu.memref_slice %arg7[%run_scoped3A_43, %dma_wait3A_64] : memref<25x400xi32, #tpu.memory_space<vmem>> -> memref<1x400xi32, #tpu.memory_space<vmem>>
      %dma_wait3A_66 = tpu.memref_squeeze %dma_wait3A_65 : memref<1x400xi32, #tpu.memory_space<vmem>> -> memref<400xi32, #tpu.memory_space<vmem>>
      %dma_wait3A_67 = arith.constant 0 : i32
      %dma_wait3A_68 = arith.constant 0 : i32
      %dma_wait3A_69 = tpu.memref_slice %arg10[%dma_wait3A_67, %dma_wait3A_68] : memref<10000x64xf32, #tpu.memory_space<vmem_shared>> -> memref<10000x64xf32, #tpu.memory_space<vmem_shared>>
      tpu.wait_indirect_dma semaphore(%run_scoped3A_57 : memref<!tpu.dma_semaphore, #tpu.memory_space<semaphore_mem>>) src(%arg9 : memref<400x64xf32, #tpu.memory_space<vmem>>) dst(%dma_wait3A_69 : memref<10000x64xf32, #tpu.memory_space<vmem_shared>>)
      tpu.yield
    }) : () -> ()
    %dma_wait3A_44 = arith.constant 24 : i32
    %dma_wait3A_45 = arith.constant 0 : i32
    %dma_wait3A_46 = tpu.memref_slice %arg6[%dma_wait3A_44, %dma_wait3A_45] : memref<25x400xi32, #tpu.memory_space<vmem>> -> memref<1x400xi32, #tpu.memory_space<vmem>>
    %dma_wait3A_47 = tpu.memref_squeeze %dma_wait3A_46 : memref<1x400xi32, #tpu.memory_space<vmem>> -> memref<400xi32, #tpu.memory_space<vmem>>
    %dma_wait3A_48 = arith.constant 0 : i32
    %dma_wait3A_49 = arith.constant 0 : i32
    %dma_wait3A_50 = tpu.memref_slice %arg2[%dma_wait3A_48, %dma_wait3A_49] : memref<10000x64xf32, #tpu.memory_space<hbm>> -> memref<10000x64xf32, #tpu.memory_space<hbm>>
    tpu.wait_indirect_dma semaphore(%arg11 : memref<!tpu.dma_semaphore, #tpu.memory_space<semaphore_mem>>) src(%dma_wait3A_50 : memref<10000x64xf32, #tpu.memory_space<hbm>>) dst(%arg8 : memref<400x64xf32, #tpu.memory_space<vmem>>)
    %run_scoped3A_51 = arith.constant 24 : i32
    "tpu.region"() ({
      %run_scoped3A_57 = tpu.sem_alloc : memref<!tpu.dma_semaphore, #tpu.memory_space<semaphore_mem>>
      %dma_start3A_58 = arith.constant 0 : i32
      %dma_start3A_59 = tpu.memref_slice %arg7[%run_scoped3A_51, %dma_start3A_58] : memref<25x400xi32, #tpu.memory_space<vmem>> -> memref<1x400xi32, #tpu.memory_space<vmem>>
      %dma_start3A_60 = tpu.memref_squeeze %dma_start3A_59 : memref<1x400xi32, #tpu.memory_space<vmem>> -> memref<400xi32, #tpu.memory_space<vmem>>
      %dma_start3A_61 = arith.constant 0 : i32
      %dma_start3A_62 = arith.constant 0 : i32
      %dma_start3A_63 = tpu.memref_slice %arg10[%dma_start3A_61, %dma_start3A_62] : memref<10000x64xf32, #tpu.memory_space<vmem_shared>> -> memref<10000x64xf32, #tpu.memory_space<vmem_shared>>
      tpu.enqueue_indirect_dma source(%arg8 : memref<400x64xf32, #tpu.memory_space<vmem>>) target(%dma_start3A_63 : memref<10000x64xf32, #tpu.memory_space<vmem_shared>>) offsets(%dma_start3A_60 : memref<400xi32, #tpu.memory_space<vmem>>) semaphore(%run_scoped3A_57 : memref<!tpu.dma_semaphore, #tpu.memory_space<semaphore_mem>>) {add = true}
      %dma_wait3A_64 = arith.constant 0 : i32
      %dma_wait3A_65 = tpu.memref_slice %arg7[%run_scoped3A_51, %dma_wait3A_64] : memref<25x400xi32, #tpu.memory_space<vmem>> -> memref<1x400xi32, #tpu.memory_space<vmem>>
      %dma_wait3A_66 = tpu.memref_squeeze %dma_wait3A_65 : memref<1x400xi32, #tpu.memory_space<vmem>> -> memref<400xi32, #tpu.memory_space<vmem>>
      %dma_wait3A_67 = arith.constant 0 : i32
      %dma_wait3A_68 = arith.constant 0 : i32
      %dma_wait3A_69 = tpu.memref_slice %arg10[%dma_wait3A_67, %dma_wait3A_68] : memref<10000x64xf32, #tpu.memory_space<vmem_shared>> -> memref<10000x64xf32, #tpu.memory_space<vmem_shared>>
      tpu.wait_indirect_dma semaphore(%run_scoped3A_57 : memref<!tpu.dma_semaphore, #tpu.memory_space<semaphore_mem>>) src(%arg8 : memref<400x64xf32, #tpu.memory_space<vmem>>) dst(%dma_wait3A_69 : memref<10000x64xf32, #tpu.memory_space<vmem_shared>>)
      tpu.yield
    }) : () -> ()
    %barrier3A_52 = arith.constant 0 : index
    tpu.barrier barrier_id(%barrier3A_52)
    %mul3A_53 = arith.constant 625 : i32
    %mul3A_54 = arith.muli %arg1, %mul3A_53 : i32
    %mul3A_55 = arith.constant 625 : i32
    %mul3A_56 = arith.muli %arg1, %mul3A_55 : i32
    "tpu.region"() ({
      %run_scoped3A_57 = tpu.sem_alloc : memref<!tpu.dma_semaphore, #tpu.memory_space<semaphore_mem>>
      %dma_start3A_58 = arith.constant 0 : i32
      %dma_start3A_59 = tpu.memref_slice %arg5[%arg0, %mul3A_56, %dma_start3A_58] : memref<2x10000x64xf32, #tpu.memory_space<hbm>> -> memref<1x625x64xf32, #tpu.memory_space<hbm>>
      %dma_start3A_60 = tpu.memref_squeeze %dma_start3A_59 : memref<1x625x64xf32, #tpu.memory_space<hbm>> -> memref<625x64xf32, #tpu.memory_space<hbm>>
      %dma_start3A_61 = arith.constant 0 : i32
      %dma_start3A_62 = tpu.memref_slice %arg10[%mul3A_54, %dma_start3A_61] : memref<10000x64xf32, #tpu.memory_space<vmem_shared>> -> memref<625x64xf32, #tpu.memory_space<vmem_shared>>
      tpu.enqueue_dma source(%dma_start3A_62 : memref<625x64xf32, #tpu.memory_space<vmem_shared>>) target(%dma_start3A_60 : memref<625x64xf32, #tpu.memory_space<hbm>>) target_semaphore(%run_scoped3A_57 : memref<!tpu.dma_semaphore, #tpu.memory_space<semaphore_mem>>)
      %dma_wait3A_63 = arith.constant 0 : i32
      %dma_wait3A_64 = tpu.memref_slice %arg5[%arg0, %mul3A_56, %dma_wait3A_63] : memref<2x10000x64xf32, #tpu.memory_space<hbm>> -> memref<1x625x64xf32, #tpu.memory_space<hbm>>
      %dma_wait3A_65 = tpu.memref_squeeze %dma_wait3A_64 : memref<1x625x64xf32, #tpu.memory_space<hbm>> -> memref<625x64xf32, #tpu.memory_space<hbm>>
      %dma_wait3A_66 = arith.constant 0 : i32
      %dma_wait3A_67 = tpu.memref_slice %arg10[%mul3A_54, %dma_wait3A_66] : memref<10000x64xf32, #tpu.memory_space<vmem_shared>> -> memref<625x64xf32, #tpu.memory_space<vmem_shared>>
      tpu.wait_dma2 semaphore(%run_scoped3A_57 : memref<!tpu.dma_semaphore, #tpu.memory_space<semaphore_mem>>) src(%dma_wait3A_67 : memref<625x64xf32, #tpu.memory_space<vmem_shared>>) dst(%dma_wait3A_65 : memref<625x64xf32, #tpu.memory_space<hbm>>)
      tpu.yield
    }) : () -> ()
    return
  }
}

#map = affine_map<(d0, d1) -> (0, 0, 0, 0)>
#map1 = affine_map<(d0, d1) -> (0, 0)>
#map2 = affine_map<(d0, d1) -> (0, 0, 0)>
module attributes {stable_mosaic.version = 14 : i64} {
  func.func @hist(%arg0: i32, %arg1: i32, %arg2: memref<2x32x25x400xi32, #tpu.memory_space<hbm>>, %arg3: memref<10000x1xf32, #tpu.memory_space<hbm>>, %arg4: memref<400x1xf32, #tpu.memory_space<hbm>>, %arg5: memref<2x10000x1xf32, #tpu.memory_space<hbm>>, %arg6: memref<25x400xi32, #tpu.memory_space<vmem>>, %arg7: memref<400x1xf32, #tpu.memory_space<vmem>>, %arg8: memref<10000x1xf32, #tpu.memory_space<vmem_shared>>) attributes {dimension_semantics = [#tpu.dimension_semantics<core_parallel>, #tpu.dimension_semantics<subcore_parallel>], iteration_bounds = array<i64: 2, 16>, scalar_prefetch = 0 : i64, scratch_operands = 3 : i64, tpu.core_type = #tpu.core_type<sc_vector_subcore>, window_params = [{transform_indices = #map}, {transform_indices = #map1}, {transform_indices = #map1}, {transform_indices = #map2}]} {
    %mul3A = arith.constant 16 : i32
    %mul3A_0 = arith.muli %arg0, %mul3A : i32
    %add3A = arith.addi %mul3A_0, %arg1 : i32
    %run_scoped3A = arith.constant 1 : i32
    "tpu.region"() ({
      %run_scoped3A_14 = tpu.sem_alloc : memref<!tpu.dma_semaphore, #tpu.memory_space<semaphore_mem>>
      %dma_start3A = arith.constant 0 : i32
      %dma_start3A_15 = arith.constant 0 : i32
      %dma_start3A_16 = tpu.memref_slice %arg2[%run_scoped3A, %add3A, %dma_start3A, %dma_start3A_15] : memref<2x32x25x400xi32, #tpu.memory_space<hbm>> -> memref<1x1x25x400xi32, #tpu.memory_space<hbm>>
      %dma_start3A_17 = tpu.memref_squeeze %dma_start3A_16 : memref<1x1x25x400xi32, #tpu.memory_space<hbm>> -> memref<25x400xi32, #tpu.memory_space<hbm>>
      %dma_start3A_18 = arith.constant 0 : i32
      %dma_start3A_19 = arith.constant 0 : i32
      %dma_start3A_20 = tpu.memref_slice %arg2[%run_scoped3A, %add3A, %dma_start3A_18, %dma_start3A_19] : memref<2x32x25x400xi32, #tpu.memory_space<hbm>> -> memref<1x1x25x400xi32, #tpu.memory_space<hbm>>
      %dma_start3A_21 = tpu.memref_squeeze %dma_start3A_20 : memref<1x1x25x400xi32, #tpu.memory_space<hbm>> -> memref<25x400xi32, #tpu.memory_space<hbm>>
      tpu.enqueue_dma source(%dma_start3A_21 : memref<25x400xi32, #tpu.memory_space<hbm>>) target(%arg6 : memref<25x400xi32, #tpu.memory_space<vmem>>) target_semaphore(%run_scoped3A_14 : memref<!tpu.dma_semaphore, #tpu.memory_space<semaphore_mem>>)
      %dma_wait3A = arith.constant 0 : i32
      %dma_wait3A_22 = arith.constant 0 : i32
      %dma_wait3A_23 = tpu.memref_slice %arg2[%run_scoped3A, %add3A, %dma_wait3A, %dma_wait3A_22] : memref<2x32x25x400xi32, #tpu.memory_space<hbm>> -> memref<1x1x25x400xi32, #tpu.memory_space<hbm>>
      %dma_wait3A_24 = tpu.memref_squeeze %dma_wait3A_23 : memref<1x1x25x400xi32, #tpu.memory_space<hbm>> -> memref<25x400xi32, #tpu.memory_space<hbm>>
      %dma_wait3A_25 = arith.constant 0 : i32
      %dma_wait3A_26 = arith.constant 0 : i32
      %dma_wait3A_27 = tpu.memref_slice %arg2[%run_scoped3A, %add3A, %dma_wait3A_25, %dma_wait3A_26] : memref<2x32x25x400xi32, #tpu.memory_space<hbm>> -> memref<1x1x25x400xi32, #tpu.memory_space<hbm>>
      %dma_wait3A_28 = tpu.memref_squeeze %dma_wait3A_27 : memref<1x1x25x400xi32, #tpu.memory_space<hbm>> -> memref<25x400xi32, #tpu.memory_space<hbm>>
      tpu.wait_dma2 semaphore(%run_scoped3A_14 : memref<!tpu.dma_semaphore, #tpu.memory_space<semaphore_mem>>) src(%dma_wait3A_28 : memref<25x400xi32, #tpu.memory_space<hbm>>) dst(%arg6 : memref<25x400xi32, #tpu.memory_space<vmem>>)
      tpu.yield
    }) : () -> ()
    "tpu.region"() ({
      %run_scoped3A_14 = tpu.sem_alloc : memref<!tpu.dma_semaphore, #tpu.memory_space<semaphore_mem>>
      tpu.enqueue_dma source(%arg4 : memref<400x1xf32, #tpu.memory_space<hbm>>) target(%arg7 : memref<400x1xf32, #tpu.memory_space<vmem>>) target_semaphore(%run_scoped3A_14 : memref<!tpu.dma_semaphore, #tpu.memory_space<semaphore_mem>>)
      tpu.wait_dma2 semaphore(%run_scoped3A_14 : memref<!tpu.dma_semaphore, #tpu.memory_space<semaphore_mem>>) src(%arg4 : memref<400x1xf32, #tpu.memory_space<hbm>>) dst(%arg7 : memref<400x1xf32, #tpu.memory_space<vmem>>)
      tpu.yield
    }) : () -> ()
    %eq3A = arith.constant 0 : i32
    %eq3A_1 = arith.cmpi eq, %arg1, %eq3A : i32
    %convert_element_type3A = arith.extui %eq3A_1 : i1 to i32
    %cond3A = arith.constant 0 : i32
    %cond3A_2 = arith.cmpi ne, %convert_element_type3A, %cond3A : i32
    scf.if %cond3A_2 {
      "tpu.region"() ({
        %run_scoped3A_14 = tpu.sem_alloc : memref<!tpu.dma_semaphore, #tpu.memory_space<semaphore_mem>>
        tpu.enqueue_dma source(%arg3 : memref<10000x1xf32, #tpu.memory_space<hbm>>) target(%arg8 : memref<10000x1xf32, #tpu.memory_space<vmem_shared>>) target_semaphore(%run_scoped3A_14 : memref<!tpu.dma_semaphore, #tpu.memory_space<semaphore_mem>>)
        tpu.wait_dma2 semaphore(%run_scoped3A_14 : memref<!tpu.dma_semaphore, #tpu.memory_space<semaphore_mem>>) src(%arg3 : memref<10000x1xf32, #tpu.memory_space<hbm>>) dst(%arg8 : memref<10000x1xf32, #tpu.memory_space<vmem_shared>>)
        tpu.yield
      }) : () -> ()
    } else {
    }
    %barrier3A = arith.constant 0 : index
    tpu.barrier barrier_id(%barrier3A)
    %scan3A = arith.constant 0 : i32
    %scan3A_3 = arith.constant 0 : i32
    %scan3A_4 = arith.constant 25 : i32
    %scan3A_5 = arith.addi %scan3A_3, %scan3A_4 : i32
    %scan3A_6 = arith.constant 1 : i32
    scf.for %scan3A_14 = %scan3A_3 to %scan3A_5 step %scan3A_6  : i32 {
      "tpu.region"() ({
        %run_scoped3A_15 = tpu.sem_alloc : memref<!tpu.dma_semaphore, #tpu.memory_space<semaphore_mem>>
        %dma_start3A = arith.constant 0 : i32
        %dma_start3A_16 = tpu.memref_slice %arg6[%scan3A_14, %dma_start3A] : memref<25x400xi32, #tpu.memory_space<vmem>> -> memref<1x400xi32, #tpu.memory_space<vmem>>
        %dma_start3A_17 = tpu.memref_squeeze %dma_start3A_16 : memref<1x400xi32, #tpu.memory_space<vmem>> -> memref<400xi32, #tpu.memory_space<vmem>>
        %dma_start3A_18 = arith.constant 0 : i32
        %dma_start3A_19 = arith.constant 0 : i32
        %dma_start3A_20 = tpu.memref_slice %arg8[%dma_start3A_18, %dma_start3A_19] : memref<10000x1xf32, #tpu.memory_space<vmem_shared>> -> memref<10000x1xf32, #tpu.memory_space<vmem_shared>>
        tpu.enqueue_indirect_dma source(%arg7 : memref<400x1xf32, #tpu.memory_space<vmem>>) target(%dma_start3A_20 : memref<10000x1xf32, #tpu.memory_space<vmem_shared>>) offsets(%dma_start3A_17 : memref<400xi32, #tpu.memory_space<vmem>>) semaphore(%run_scoped3A_15 : memref<!tpu.dma_semaphore, #tpu.memory_space<semaphore_mem>>) {add = true}
        %dma_wait3A = arith.constant 0 : i32
        %dma_wait3A_21 = tpu.memref_slice %arg6[%scan3A_14, %dma_wait3A] : memref<25x400xi32, #tpu.memory_space<vmem>> -> memref<1x400xi32, #tpu.memory_space<vmem>>
        %dma_wait3A_22 = tpu.memref_squeeze %dma_wait3A_21 : memref<1x400xi32, #tpu.memory_space<vmem>> -> memref<400xi32, #tpu.memory_space<vmem>>
        %dma_wait3A_23 = arith.constant 0 : i32
        %dma_wait3A_24 = arith.constant 0 : i32
        %dma_wait3A_25 = tpu.memref_slice %arg8[%dma_wait3A_23, %dma_wait3A_24] : memref<10000x1xf32, #tpu.memory_space<vmem_shared>> -> memref<10000x1xf32, #tpu.memory_space<vmem_shared>>
        tpu.wait_indirect_dma semaphore(%run_scoped3A_15 : memref<!tpu.dma_semaphore, #tpu.memory_space<semaphore_mem>>) src(%arg7 : memref<400x1xf32, #tpu.memory_space<vmem>>) dst(%dma_wait3A_25 : memref<10000x1xf32, #tpu.memory_space<vmem_shared>>)
        tpu.yield
      }) : () -> ()
    }
    %scan3A_7 = arith.constant 25 : i32
    %barrier3A_8 = arith.constant 0 : index
    tpu.barrier barrier_id(%barrier3A_8)
    %eq3A_9 = arith.constant 0 : i32
    %eq3A_10 = arith.cmpi eq, %arg1, %eq3A_9 : i32
    %convert_element_type3A_11 = arith.extui %eq3A_10 : i1 to i32
    %cond3A_12 = arith.constant 0 : i32
    %cond3A_13 = arith.cmpi ne, %convert_element_type3A_11, %cond3A_12 : i32
    scf.if %cond3A_13 {
      "tpu.region"() ({
        %run_scoped3A_14 = tpu.sem_alloc : memref<!tpu.dma_semaphore, #tpu.memory_space<semaphore_mem>>
        %dma_start3A = arith.constant 0 : i32
        %dma_start3A_15 = arith.constant 0 : i32
        %dma_start3A_16 = tpu.memref_slice %arg5[%arg0, %dma_start3A, %dma_start3A_15] : memref<2x10000x1xf32, #tpu.memory_space<hbm>> -> memref<1x10000x1xf32, #tpu.memory_space<hbm>>
        %dma_start3A_17 = tpu.memref_squeeze %dma_start3A_16 : memref<1x10000x1xf32, #tpu.memory_space<hbm>> -> memref<10000x1xf32, #tpu.memory_space<hbm>>
        tpu.enqueue_dma source(%arg8 : memref<10000x1xf32, #tpu.memory_space<vmem_shared>>) target(%dma_start3A_17 : memref<10000x1xf32, #tpu.memory_space<hbm>>) target_semaphore(%run_scoped3A_14 : memref<!tpu.dma_semaphore, #tpu.memory_space<semaphore_mem>>)
        %dma_wait3A = arith.constant 0 : i32
        %dma_wait3A_18 = arith.constant 0 : i32
        %dma_wait3A_19 = tpu.memref_slice %arg5[%arg0, %dma_wait3A, %dma_wait3A_18] : memref<2x10000x1xf32, #tpu.memory_space<hbm>> -> memref<1x10000x1xf32, #tpu.memory_space<hbm>>
        %dma_wait3A_20 = tpu.memref_squeeze %dma_wait3A_19 : memref<1x10000x1xf32, #tpu.memory_space<hbm>> -> memref<10000x1xf32, #tpu.memory_space<hbm>>
        tpu.wait_dma2 semaphore(%run_scoped3A_14 : memref<!tpu.dma_semaphore, #tpu.memory_space<semaphore_mem>>) src(%arg8 : memref<10000x1xf32, #tpu.memory_space<vmem_shared>>) dst(%dma_wait3A_20 : memref<10000x1xf32, #tpu.memory_space<hbm>>)
        tpu.yield
      }) : () -> ()
    } else {
    }
    return
  }
}

module attributes {stable_mosaic.version = 14 : i64} {
  func.func @body(%arg0: memref<10000x128xf32, #tpu.memory_space<vmem>>, %arg1: memref<128x64xf32, #tpu.memory_space<vmem>>, %arg2: memref<2x10000x1xf32, #tpu.memory_space<vmem>>, %arg3: memref<10000x64xf32, #tpu.memory_space<vmem>>, %arg4: memref<10000x1xf32, #tpu.memory_space<vmem>>) attributes {dimension_semantics = [], scalar_prefetch = 0 : i64, scratch_operands = 0 : i64, tpu.core_type = #tpu.core_type<tc>} {
    %get3A = arith.constant 0 : index
    %get3A_0 = arith.constant 0 : index
    %get3A_1 = arith.constant 0 : index
    %get3A_2 = vector.load %arg2[%get3A, %get3A_0, %get3A_1] : memref<2x10000x1xf32, #tpu.memory_space<vmem>>, vector<1x10000x1xf32>
    %get3A_3 = vector.shape_cast %get3A_2 : vector<1x10000x1xf32> to vector<10000x1xf32>
    %get3A_4 = arith.constant 1 : index
    %get3A_5 = arith.constant 0 : index
    %get3A_6 = arith.constant 0 : index
    %get3A_7 = vector.load %arg2[%get3A_4, %get3A_5, %get3A_6] : memref<2x10000x1xf32, #tpu.memory_space<vmem>>, vector<1x10000x1xf32>
    %get3A_8 = vector.shape_cast %get3A_7 : vector<1x10000x1xf32> to vector<10000x1xf32>
    %add3A = arith.addf %get3A_3, %get3A_8 : vector<10000x1xf32>
    %add3A_9 = arith.constant 1.000000e+00 : f32
    %add3A_10 = vector.broadcast %add3A_9 : f32 to vector<10000x1xf32>
    %add3A_11 = arith.addf %add3A, %add3A_10 : vector<10000x1xf32>
    %rsqrt3A = math.rsqrt %add3A_11 : vector<10000x1xf32>
    %get3A_12 = arith.constant 0 : index
    %get3A_13 = arith.constant 0 : index
    %get3A_14 = vector.load %arg0[%get3A_12, %get3A_13] : memref<10000x128xf32, #tpu.memory_space<vmem>>, vector<10000x128xf32>
    %get3A_15 = arith.constant 0 : index
    %get3A_16 = arith.constant 0 : index
    %get3A_17 = vector.load %arg1[%get3A_15, %get3A_16] : memref<128x64xf32, #tpu.memory_space<vmem>>, vector<128x64xf32>
    %dot_general3A = arith.constant dense<0.000000e+00> : vector<10000x64xf32>
    %dot_general3A_18 = tpu.matmul %get3A_14, %get3A_17, %dot_general3A {dimension_numbers = #tpu.dot_dimension_numbers<[1], [0], [0], [1], [0, 0, 1, 1], [], []>, transpose_lhs_hint = false} : vector<10000x128xf32>, vector<128x64xf32>, vector<10000x64xf32> -> vector<10000x64xf32>
    %mul3A = vector.broadcast %rsqrt3A : vector<10000x1xf32> to vector<10000x64xf32>
    %mul3A_19 = arith.mulf %dot_general3A_18, %mul3A : vector<10000x64xf32>
    %swap3A = arith.constant 0 : index
    %swap3A_20 = arith.constant 0 : index
    %swap3A_21 = vector.load %arg3[%swap3A, %swap3A_20] : memref<10000x64xf32, #tpu.memory_space<vmem>>, vector<10000x64xf32>
    tpu.vector_store %arg3[%swap3A, %swap3A_20], %mul3A_19 {strides = array<i32>} : memref<10000x64xf32, #tpu.memory_space<vmem>>, vector<10000x64xf32>,
    %swap3A_22 = arith.constant 0 : index
    %swap3A_23 = arith.constant 0 : index
    %swap3A_24 = vector.load %arg4[%swap3A_22, %swap3A_23] : memref<10000x1xf32, #tpu.memory_space<vmem>>, vector<10000x1xf32>
    tpu.vector_store %arg4[%swap3A_22, %swap3A_23], %rsqrt3A {strides = array<i32>} : memref<10000x1xf32, #tpu.memory_space<vmem>>, vector<10000x1xf32>,
    return
  }
}

module attributes {stable_mosaic.version = 14 : i64} {
  func.func @body(%arg0: memref<2x10000x64xf32, #tpu.memory_space<vmem>>, %arg1: memref<10000x64xf32, #tpu.memory_space<vmem>>, %arg2: memref<10000x1xf32, #tpu.memory_space<vmem>>, %arg3: memref<1x64xf32, #tpu.memory_space<vmem>>, %arg4: memref<64x40xf32, #tpu.memory_space<vmem>>, %arg5: memref<10000x40xf32, #tpu.memory_space<vmem>>) attributes {dimension_semantics = [], scalar_prefetch = 0 : i64, scratch_operands = 0 : i64, tpu.core_type = #tpu.core_type<tc>} {
    %get3A = arith.constant 0 : index
    %get3A_0 = arith.constant 0 : index
    %get3A_1 = arith.constant 0 : index
    %get3A_2 = vector.load %arg0[%get3A, %get3A_0, %get3A_1] : memref<2x10000x64xf32, #tpu.memory_space<vmem>>, vector<1x10000x64xf32>
    %get3A_3 = vector.shape_cast %get3A_2 : vector<1x10000x64xf32> to vector<10000x64xf32>
    %get3A_4 = arith.constant 1 : index
    %get3A_5 = arith.constant 0 : index
    %get3A_6 = arith.constant 0 : index
    %get3A_7 = vector.load %arg0[%get3A_4, %get3A_5, %get3A_6] : memref<2x10000x64xf32, #tpu.memory_space<vmem>>, vector<1x10000x64xf32>
    %get3A_8 = vector.shape_cast %get3A_7 : vector<1x10000x64xf32> to vector<10000x64xf32>
    %add3A = arith.addf %get3A_3, %get3A_8 : vector<10000x64xf32>
    %get3A_9 = arith.constant 0 : index
    %get3A_10 = arith.constant 0 : index
    %get3A_11 = vector.load %arg1[%get3A_9, %get3A_10] : memref<10000x64xf32, #tpu.memory_space<vmem>>, vector<10000x64xf32>
    %add3A_12 = arith.addf %add3A, %get3A_11 : vector<10000x64xf32>
    %get3A_13 = arith.constant 0 : index
    %get3A_14 = arith.constant 0 : index
    %get3A_15 = vector.load %arg2[%get3A_13, %get3A_14] : memref<10000x1xf32, #tpu.memory_space<vmem>>, vector<10000x1xf32>
    %mul3A = vector.broadcast %get3A_15 : vector<10000x1xf32> to vector<10000x64xf32>
    %mul3A_16 = arith.mulf %add3A_12, %mul3A : vector<10000x64xf32>
    %get3A_17 = arith.constant 0 : index
    %get3A_18 = arith.constant 0 : index
    %get3A_19 = vector.load %arg3[%get3A_17, %get3A_18] : memref<1x64xf32, #tpu.memory_space<vmem>>, vector<1x64xf32>
    %add3A_20 = vector.broadcast %get3A_19 : vector<1x64xf32> to vector<10000x64xf32>
    %add3A_21 = arith.addf %mul3A_16, %add3A_20 : vector<10000x64xf32>
    %max3A = arith.constant 0.000000e+00 : f32
    %max3A_22 = vector.broadcast %max3A : f32 to vector<10000x64xf32>
    %max3A_23 = arith.maximumf %add3A_21, %max3A_22 : vector<10000x64xf32>
    %get3A_24 = arith.constant 0 : index
    %get3A_25 = arith.constant 0 : index
    %get3A_26 = vector.load %arg4[%get3A_24, %get3A_25] : memref<64x40xf32, #tpu.memory_space<vmem>>, vector<64x40xf32>
    %dot_general3A = arith.constant dense<0.000000e+00> : vector<10000x40xf32>
    %dot_general3A_27 = tpu.matmul %max3A_23, %get3A_26, %dot_general3A {dimension_numbers = #tpu.dot_dimension_numbers<[1], [0], [0], [1], [0, 0, 1, 1], [], []>, transpose_lhs_hint = false} : vector<10000x64xf32>, vector<64x40xf32>, vector<10000x40xf32> -> vector<10000x40xf32>
    %get3A_28 = arith.constant 0 : index
    %get3A_29 = arith.constant 0 : index
    %get3A_30 = vector.load %arg2[%get3A_28, %get3A_29] : memref<10000x1xf32, #tpu.memory_space<vmem>>, vector<10000x1xf32>
    %mul3A_31 = vector.broadcast %get3A_30 : vector<10000x1xf32> to vector<10000x40xf32>
    %mul3A_32 = arith.mulf %dot_general3A_27, %mul3A_31 : vector<10000x40xf32>
    %swap3A = arith.constant 0 : index
    %swap3A_33 = arith.constant 0 : index
    %swap3A_34 = vector.load %arg5[%swap3A, %swap3A_33] : memref<10000x40xf32, #tpu.memory_space<vmem>>, vector<10000x40xf32>
    tpu.vector_store %arg5[%swap3A, %swap3A_33], %mul3A_32 {strides = array<i32>} : memref<10000x40xf32, #tpu.memory_space<vmem>>, vector<10000x40xf32>,
    return
  }
}

module attributes {stable_mosaic.version = 14 : i64} {
  func.func @body(%arg0: memref<2x10000x40xf32, #tpu.memory_space<vmem>>, %arg1: memref<10000x40xf32, #tpu.memory_space<vmem>>, %arg2: memref<10000x1xf32, #tpu.memory_space<vmem>>, %arg3: memref<1x40xf32, #tpu.memory_space<vmem>>, %arg4: memref<10000x40xf32, #tpu.memory_space<vmem>>) attributes {dimension_semantics = [], scalar_prefetch = 0 : i64, scratch_operands = 0 : i64, tpu.core_type = #tpu.core_type<tc>} {
    %get3A = arith.constant 0 : index
    %get3A_0 = arith.constant 0 : index
    %get3A_1 = arith.constant 0 : index
    %get3A_2 = vector.load %arg0[%get3A, %get3A_0, %get3A_1] : memref<2x10000x40xf32, #tpu.memory_space<vmem>>, vector<1x10000x40xf32>
    %get3A_3 = vector.shape_cast %get3A_2 : vector<1x10000x40xf32> to vector<10000x40xf32>
    %get3A_4 = arith.constant 1 : index
    %get3A_5 = arith.constant 0 : index
    %get3A_6 = arith.constant 0 : index
    %get3A_7 = vector.load %arg0[%get3A_4, %get3A_5, %get3A_6] : memref<2x10000x40xf32, #tpu.memory_space<vmem>>, vector<1x10000x40xf32>
    %get3A_8 = vector.shape_cast %get3A_7 : vector<1x10000x40xf32> to vector<10000x40xf32>
    %add3A = arith.addf %get3A_3, %get3A_8 : vector<10000x40xf32>
    %get3A_9 = arith.constant 0 : index
    %get3A_10 = arith.constant 0 : index
    %get3A_11 = vector.load %arg1[%get3A_9, %get3A_10] : memref<10000x40xf32, #tpu.memory_space<vmem>>, vector<10000x40xf32>
    %add3A_12 = arith.addf %add3A, %get3A_11 : vector<10000x40xf32>
    %get3A_13 = arith.constant 0 : index
    %get3A_14 = arith.constant 0 : index
    %get3A_15 = vector.load %arg2[%get3A_13, %get3A_14] : memref<10000x1xf32, #tpu.memory_space<vmem>>, vector<10000x1xf32>
    %mul3A = vector.broadcast %get3A_15 : vector<10000x1xf32> to vector<10000x40xf32>
    %mul3A_16 = arith.mulf %add3A_12, %mul3A : vector<10000x40xf32>
    %get3A_17 = arith.constant 0 : index
    %get3A_18 = arith.constant 0 : index
    %get3A_19 = vector.load %arg3[%get3A_17, %get3A_18] : memref<1x40xf32, #tpu.memory_space<vmem>>, vector<1x40xf32>
    %add3A_20 = vector.broadcast %get3A_19 : vector<1x40xf32> to vector<10000x40xf32>
    %add3A_21 = arith.addf %mul3A_16, %add3A_20 : vector<10000x40xf32>
    %reduce_max3A = arith.constant dense<0xFF800000> : vector<10000xf32>
    %reduce_max3A_22 = vector.multi_reduction <maximumf>, %add3A_21, %reduce_max3A [1] : vector<10000x40xf32> to vector<10000xf32>
    %broadcast_in_dim3A = vector.shape_cast %reduce_max3A_22 : vector<10000xf32> to vector<10000x1xf32>
    %sub3A = vector.broadcast %broadcast_in_dim3A : vector<10000x1xf32> to vector<10000x40xf32>
    %sub3A_23 = arith.subf %add3A_21, %sub3A : vector<10000x40xf32>
    %exp3A = math.exp %sub3A_23 : vector<10000x40xf32>
    %reduce_sum3A = arith.constant dense<0.000000e+00> : vector<10000xf32>
    %reduce_sum3A_24 = vector.multi_reduction <add>, %exp3A, %reduce_sum3A [1] : vector<10000x40xf32> to vector<10000xf32>
    %broadcast_in_dim3A_25 = vector.shape_cast %reduce_sum3A_24 : vector<10000xf32> to vector<10000x1xf32>
    %log3A = math.log %broadcast_in_dim3A_25 : vector<10000x1xf32>
    %add3A_26 = arith.addf %log3A, %broadcast_in_dim3A : vector<10000x1xf32>
    %sub3A_27 = vector.broadcast %add3A_26 : vector<10000x1xf32> to vector<10000x40xf32>
    %sub3A_28 = arith.subf %add3A_21, %sub3A_27 : vector<10000x40xf32>
    %swap3A = arith.constant 0 : index
    %swap3A_29 = arith.constant 0 : index
    %swap3A_30 = vector.load %arg4[%swap3A, %swap3A_29] : memref<10000x40xf32, #tpu.memory_space<vmem>>, vector<10000x40xf32>
    tpu.vector_store %arg4[%swap3A, %swap3A_29], %sub3A_28 {strides = array<i32>} : memref<10000x40xf32, #tpu.memory_space<vmem>>, vector<10000x40xf32>,
    return
  }
}

</mosaic_0001>

<sc_bundles>
// kernel: kernel.11.cloned.1.call-start
scs
__scs_entry_jumppad:
0x0: {  	(pc) =	sbr.rel $0x88, $3  }
0x1: {  	(tag) =	ssettag $0x0;
	lr =	simm.s32 $0x1  }
0x2: {  	[smem:$0x3F9B] =	sst lr;
	_ =	strace $0xD0000000  }
0x3: {  	_ = 	snop  }
0x4: {  	_ = 	snop  }
0x5: {  	_ = 	snop  }
0x6: {  	_ = 	snop  }
0x7: {  	_ = 	snop  }
__scs_overlays_trampoline_lowered:
0x8: {  	[smem:$0x3FAA] =	sst s0  }
0x9: {  	[smem:$0x3FAB] =	sst s1  }
0xa: {  	[smem:$0x3FAC] =	sst s2  }
0xb: {  	[smem:$0x3FAD] =	sst s3  }
0xc: {  	[smem:$0x3FAE] =	sst s4  }
0xd: {  	[smem:$0x3FAF] =	sst s5  }
0xe: {  	[smem:$0x3FB0] =	sst s6  }
0xf: {  	[smem:$0x3FB1] =	sst s7  }
0x10: {  	[smem:$0x3FB2] =	sst s8  }
0x11: {  	[smem:$0x3FB3] =	sst s9;
	s0 =	simm.s32 @!p0 $0x0  }
0x12: {  	s1 =	sld [smem:$0x3F99];
	s0 =	simm.s32 @p0 $0x1  }
0x13: {  	[smem:$0x3FB4] =	sst s0;
	s0 =	simm.s32 @!p1 $0x0  }
0x14: {  	s2 =	sld [smem:$0x3F98];
	s0 =	simm.s32 @p1 $0x1  }
0x15: {  	[smem:$0x3FB5] =	sst s0;
	s0 =	simm.s32 @!p2 $0x0  }
0x16: {  	s3 =	sld [smem:$0x3FDB];
	s0 =	simm.s32 @p2 $0x1  }
0x17: {  	s4 =	simm.s32 $0x1BF5;
	[smem:$0x3FB7] =	sst s0  }
0x18: {  	s0 =	sld [smem:$0x3F9A];
	_ =	swait.ge [sflag:s4], $0x0  }
0x19: {  	s7 =	sld [smem:$0x3F9B]  }
0x1a: {  	s8 =	sadd.s32 $0xFFFFE003, lr  }
0x1b: {  	s9 =	sadd.s32 $0xFFFFFEF7, lr;
	s5 =	simm.s32 $0xFFFFFFFF;
	p2 =	slt.u32 s8, $0xFFFFF086  }
0x1c: {  	p1 =	slt.u32 s9, $0xF7A;
	s5 =	simm.s32 @!p2 $0x0  }
0x1d: {  	s5 =	simm.s32 @p1 $0x1;
	p0 =	seq.s32 s7, s2  }
0x1e: {  	s7 =	smul.u32 @!p0 $0xF7A, s2;
	p2 =	seq.s32 @!p0 s5, $0x0  }
0x1f: {  	s9 =	smul.u32 $0xF7A, s1;
	s8 =	simm.s32 @!p0 $0x1BF5;
	p2 =	por !p2, p0  }
0x20: {  	[sflag:s8] =	ssyncset.s32 @!p0 $0xFFFFF086;
	s6 =	sadd.s32 @!p0 s3, s7;
	s7 =	simm.s32 @!p0 $0x108  }
0x21: {  	s3 =	sadd.s32 s3, s9;
	s6 =	sadd.s32 @!p0 $0x88, s6;
	s7 =	simm.s32 @p2 $0x1082  }
0x22: {  	[simem:s7], [sflag:s8] =	dma.local @!p0 [hbm:s6], $0xF7A  }
0x23: {  	s9 =	sor.u32 $0xD0000000, s2;
	s6 =	simm.s32 $0x108;
	_ =	swait.ge @!p0 [sflag:s8], $0x0  }
0x24: {  	s3 =	sadd.s32 $0x88, s3;
	s6 =	simm.s32 @!p1 $0x1082;
	[sflag:s4] =	ssyncset.s32 $0xFFFFF086  }
0x25: {  	[simem:s6], [sflag:s4] =	dma.local [hbm:s3], $0xF7A  }
0x26: {  	[smem:$0x3F9B] =	sst s1;
	(tag) =	ssettag s2;
	_ =	strace s9  }
0x27: {  	s1 =	sld [smem:$0x3FAB]  }
0x28: {  	s2 =	sld [smem:$0x3FAC]  }
0x29: {  	s4 =	sld [smem:$0x3FAE]  }
0x2a: {  	p0 =	seq.s32 s5, $0x0;
	s5 =	sld [smem:$0x3FAF]  }
0x2b: {  	s6 =	sld [smem:$0x3FB0]  }
0x2c: {  	s7 =	sld [smem:$0x3FB1]  }
0x2d: {  	s3 =	simm.s32 $0x108;
	s8 =	sld [smem:$0x3FB2]  }
0x2e: {  	s3 =	simm.s32 @!p0 $0x1082;
	s9 =	sld [smem:$0x3FB3]  }
0x2f: {  	lr =	sadd.s32 s0, s3;
	s0 =	sld [smem:$0x3FAA]  }
0x30: {  	s3 =	sld [smem:$0x3FAD]  }
0x31: {  	[smem:$0x3FB6] =	sst s10  }
0x32: {  	s10 =	sld [smem:$0x3FB4];
	_ =	sdelay $0x3  }
0x33: {  	p0 =	seq.s32 s10, $0x1;
	s10 =	sld [smem:$0x3FB6];
	_ =	sdelay $0x3  }
0x34: {  	[smem:$0x3FB6] =	sst s10  }
0x35: {  	s10 =	sld [smem:$0x3FB5];
	_ =	sdelay $0x3  }
0x36: {  	p1 =	seq.s32 s10, $0x1;
	s10 =	sld [smem:$0x3FB6];
	_ =	sdelay $0x3  }
0x37: {  	[smem:$0x3FB6] =	sst s10  }
0x38: {  	s10 =	sld [smem:$0x3FB7]  }
0x39: {  	_ = 	snop;
	(pc) =	sbr.ind lr, $3  }
0x3a: {  	_ = 	snop  }
0x3b: {  	_ = 	snop  }
0x3c: {  	p2 =	seq.s32 s10, $0x1;
	s10 =	sld [smem:$0x3FB6]  }
0x3d: {  	_ =	shalt  }
0x3e: {  	_ =	shalt  }
0x3f: {  	_ =	shalt  }
0x40: {  	_ =	shalt  }
0x41: {  	_ =	shalt  }
0x42: {  	_ =	shalt  }
0x43: {  	_ =	shalt  }
0x44: {  	_ =	shalt  }
0x45: {  	_ =	shalt  }
0x46: {  	_ =	shalt  }
0x47: {  	_ =	shalt  }
0x48: {  	_ =	shalt  }
0x49: {  	_ =	shalt  }
0x4a: {  	_ =	shalt  }
0x4b: {  	_ =	shalt  }
0x4c: {  	_ =	shalt  }
0x4d: {  	_ =	shalt  }
0x4e: {  	_ =	shalt  }
0x4f: {  	_ =	shalt  }
0x50: {  	_ =	shalt  }
0x51: {  	_ =	shalt  }
0x52: {  	_ =	shalt  }
0x53: {  	_ =	shalt  }
0x54: {  	_ =	shalt  }
0x55: {  	_ =	shalt  }
0x56: {  	_ =	shalt  }
0x57: {  	_ =	shalt  }
0x58: {  	_ =	shalt  }
0x59: {  	_ =	shalt  }
0x5a: {  	_ =	shalt  }
0x5b: {  	_ =	shalt  }
0x5c: {  	_ =	shalt  }
0x5d: {  	_ =	shalt  }
0x5e: {  	_ =	shalt  }
0x5f: {  	_ =	shalt  }
0x60: {  	_ =	shalt  }
0x61: {  	_ =	shalt  }
0x62: {  	_ =	shalt  }
0x63: {  	_ =	shalt  }
0x64: {  	_ =	shalt  }
0x65: {  	_ =	shalt  }
0x66: {  	_ =	shalt  }
0x67: {  	_ =	shalt  }
0x68: {  	_ =	shalt  }
0x69: {  	_ =	shalt  }
0x6a: {  	_ =	shalt  }
0x6b: {  	_ =	shalt  }
0x6c: {  	_ =	shalt  }
0x6d: {  	_ =	shalt  }
0x6e: {  	_ =	shalt  }
0x6f: {  	_ =	shalt  }
0x70: {  	_ =	shalt  }
0x71: {  	_ =	shalt  }
0x72: {  	_ =	shalt  }
0x73: {  	_ =	shalt  }
0x74: {  	_ =	shalt  }
0x75: {  	_ =	shalt  }
0x76: {  	_ =	shalt  }
0x77: {  	_ =	shalt  }
0x78: {  	_ =	shalt  }
0x79: {  	_ =	shalt  }
0x7a: {  	_ =	shalt  }
0x7b: {  	_ =	shalt  }
0x7c: {  	_ =	shalt  }
0x7d: {  	_ =	shalt  }
0x7e: {  	_ =	shalt  }
0x7f: {  	_ =	shalt  }
0x80: {  	_ =	shalt  }
0x81: {  	_ =	shalt  }
0x82: {  	_ =	shalt  }
0x83: {  	_ =	shalt  }
0x84: {  	_ =	shalt  }
0x85: {  	_ =	shalt  }
0x86: {  	_ =	shalt  }
0x87: {  	_ =	shalt  }
.Lfunc_end0:
.L_simem_size_0:
called_computation.1_lowered:
.L_overlay_start_0:
0x88: {  	s2 =	sld [smem:$0x3FD9]  }
0x89: {  	s3 =	sld [smem:$0x3FFE];
	_ =	sdelay $0x1  }
0x8a: {  	s1 =	srdreg.scid  }
0x8b: {  	s0 =	sand.u32 $0x1, s1  }
0x8c: {  	s17 =	sshll.u32 s0, $0xA;
	s2 =	sadd.s32 s3, s2  }
0x8d: {  	s2 =	sadd.s32 s2, s17  }
0x8e: {  	[smem:$0x3FC2] =	sst s2  }
0x8f: {  	_ = 	snop  }
0x90: {  	s2 =	sld [smem:$0x3FD0];
	(tm) =	ssettm $0x1  }
0x91: {  	s18 =	sld [smem:$0x3FFB];
	_ =	sdelay $0x3  }
0x92: {  	_ =	strace s18  }
0x93: {  	s3 =	sld [smem:$0x3FFC];
	_ =	sdelay $0x3  }
0x94: {  	_ =	strace s3  }
0x95: {  	s3 =	sld [smem:$0x3FFD];
	_ =	sdelay $0x3  }
0x96: {  	_ =	strace s3  }
0x97: {  	_ =	strace $0x8FFFFFFF  }
0x98: {  	s19 =	sld [smem:$0x3FDB];
	_ =	sdelay $0x1  }
0x99: {  	s4 =	simm.s32 $_scs_section_size  }
0x9a: {  	s5 =	simm.s32 $_size__tile_overlayer_lowered;
	s6 =	simm.s32 $_tile_overlayer_lowered  }
0x9b: {  	s22 =	simm.s32 $0x1BFF;
	s21 =	sshll.u32 s6, $0x1;
	s3 =	sadd.s32 s4, s19  }
0x9c: {  	s7 =	simm.s32 $0x0;
	s20 =	sshll.u32 s5, $0x1;
	s5 =	sadd.s32 s21, s3  }
0x9d: {  	[timem:s7], [sflag:s22] =	dma.local [hbm:s5], s20  }
0x9e: {  	_ =	swait.ge [sflag:s22], s20  }
0x9f: {  	s4 =	ssub.s32 $0x0, s20;
	[sflag:s22] =	ssyncset.done $0x0  }
0xa0: {  	[sflag:s22] =	ssyncadd.s32 s4;
	_ =	sdelay $0x1  }
0xa1: {  	s23 =	simm.s32 $0x1B8B  }
0xa2: {  	_ =	swait.ge [sflag:s23], $0x1  }
0xa3: {  	[sflag:s23] =	ssyncset.done $0x0  }
0xa4: {  	s25 =	simm.s32 $0x1B8E;
	s24 =	sld [smem:$0x3FFE];
	[sflag:s23] =	ssyncadd.s32 $0xFFFFFFFF  }
0xa5: {  	s26 =	simm.s32 $execute0_lowered;
	[smem:$0x3FD2] =	sst s25  }
0xa6: {  	s5 =	sshll.u32 s26, $0x1;
	_ =	strace $0x80000049;
	[dreg:$0x1] =	wrdreg $0xFFFFFFFF  }
0xa7: {  	s28 =	simm.s32 $_size_execute0_lowered;
	s3 =	sadd.s32 s3, s5;
	[dreg:$0x0] =	wrdreg $0x0  }
0xa8: {  	s5 =	sshll.u32 s28, $0x1;
	[dreg:$0x2] =	wrdreg s3  }
0xa9: {  	[dreg:$0x3] =	wrdreg s5  }
0xaa: {  	[dreg:$0x4] =	wrdreg $0xC0  }
0xab: {  	_ =	task [dreg:s7], $0x5FFFF  }
0xac: {  	[dreg:$0x1] =	wrdreg $0xFFFFFFFF  }
0xad: {  	[dreg:$0x0] =	wrdreg $0x60  }
0xae: {  	[dreg:$0x2] =	wrdreg s24  }
0xaf: {  	[dreg:$0x3] =	wrdreg s2  }
0xb0: {  	[dreg:$0x4] =	wrdreg $0x116200  }
0xb1: {  	[dreg:$0x5] =	wrdreg $0x9  }
0xb2: {  	_ =	task.clear_ibuf [dreg:s7], $0x6FFFF;
	_ =	strace $0x90000049  }
0xb3: {  	s29 =	simm.s32 $0x9;
	_ =	strace $0x8000004B  }
0xb4: {  	_ =	swait.ge [sflag:s29], $0x1  }
0xb5: {  	[sflag:s29] =	ssyncadd.s32 $0xFFFFFFFF  }
0xb6: {  	_ =	strace $0x9000004B  }
0xb7: {  	_ =	sfence  }
0xb8: {  	s30 =	sld [smem:$0x0];
	_ =	sdelay $0x2  }
0xb9: {  	s31 =	sshll.u32 s1, $0xD;
	s1 =	sshrl.u32 s1, $0x2  }
0xba: {  	s3 =	sand.u32 $0x4000, s31;
	s1 =	sadd.s32 s1, s30  }
0xbb: {  	s0 =	sor.u32 s3, s0;
	s1 =	sshll.u32 s1, $0x11  }
0xbc: {  	s0 =	sor.u32 s1, s0  }
0xbd: {  	s0 =	sadd.s32 $0x8F2B, s0  }
0xbe: {  	[sflag:s0] =	ssyncadd.remote.s32 $0x1  }
0xbf: {  	_ =	sfence.sel $0xFFFF  }
0xc0: {  	[dreg:$0x0] =	wrdreg $0xFFFFFFFF;
	(pc) =	sbr.abs _section_cstart, $3  }
0xc1: {  	[dreg:$0x1] =	wrdreg $0xFFFFFFFF  }
0xc2: {  	_ =	task.clear_ibuf [dreg:s7], $0x2FFFF;
	_ =	strace $0x9FFFFFFF  }
0xc3: {  	(tm) =	ssettm $0x7FFFFFFF  }
tec
execute0_lowered:
.L_overlay_start_1:
0x0: {  	(tag) =	ssettag $0x1  }
0x1: {  	s6 =	rddreg [dreg:$0x0]  }
0x2: {  	s2 =	rddreg [dreg:$0x1];
	s0 =	srdreg.scid  }
0x3: {  	s3 =	rddreg [dreg:$0x2];
	s1 =	stileid.u32  }
0x4: {  	s4 =	simm.s32 $0x0;
	s14 =	simm.s32 $0x190;
	s15 =	simm.s32 $0x4E20  }
0x5: {  	s16 =	simm.s32 $0xB220;
	s17 =	simm.s32 $0x1;
	s18 =	simm.s32 $0x2  }
0x6: {  	s19 =	simm.s32 $0x4970;
	s20 =	simm.s32 $0x2580;
	s21 =	simm.s32 $0x4B00  }
0x7: {  	s22 =	simm.s32 $0x4C90;
	s7 =	sand.u32 $0x1, s0;
	s0 =	rddreg [dreg:$0x3]  }
0x8: {  	s23 =	simm.s32 $0x0;
	s8 =	smul.u32 $0x9C40, s1;
	[smem:$0x7FF] =	sst s4  }
0x9: {  	s12 =	sshll.u32 s1, $0x6;
	s5 =	sshll.u32 s7, $0x4;
	s9 =	smul.u32 $0x9C400, s7  }
0xa: {  	_ =	strace $0x8000004A;
	s7 =	ssub.s32 $0x2, s7;
	s5 =	sor.u32 s1, s5  }
0xb: {  	s12 =	sor.u32 $0x1C03, s12;
	s31 =	sshrl.u32 s7, $0x1;
	s10 =	smul.u32 $0x2710, s5  }
0xc: {  	s13 =	sadd.s32 s8, s3;
	s5 =	sadd.s32 $0x15800, s6;
	s9 =	sadd.s32 s8, s9  }
0xd: {  	s11 =	ssub.s32 s7, s31;
	s9 =	sshrl.u32 s9, $0x3;
	s10 =	sshrl.u32 s10, $0x3  }
0xe: {  	s13 =	sshrl.u32 s13, $0x3;
	s9 =	sadd.s32 s9, s6;
	s10 =	sadd.s32 s10, s6  }
0xf: {  	s8 =	sadd.s32 $0x29200, s9;
	s9 =	smax.u32 s11, $0x1;
	s11 =	simm.s32 $0x2710  }
0x10: {  	s6 =	sadd.s32 $0x1E00, s10;
	s7 =	sadd.s32 $0xBA40, s10;
	s10 =	simm.s32 $0x3  }
.LBB2_1:
0x11: {  	[tilespmem:s4], [sflag:$0x3] =	stream.linear.gather [hbm4b:s6+s4], $0x2710, $0x38;
	[tilespmem:$0x1B260] =	vst v63  }
0x12: {  	_ =	swait.ge [sflag:s10], $0x2710  }
0x13: {  	[sflag:s10] =	ssyncset.done $0x0  }
0x14: {  	[sflag:s10] =	ssyncadd.s32 $0xFFFFD8F0  }
0x15: {  	[tilespmem:s11], [sflag:$0x3] =	stream.linear.gather [hbm4b:s7+s4], $0x2710, $0x38;
	[tilespmem:$0x1B260] =	vst v63  }
0x16: {  	_ =	swait.ge [sflag:s10], $0x2710  }
0x17: {  	[sflag:s10] =	ssyncset.done $0x0  }
0x18: {  	[sflag:s10] =	ssyncadd.s32 $0xFFFFD8F0  }
0x19: {  	[spmem:s13], [sflag:s12] =	dma.local [hbm:s2], $0x1388  }
0x1a: {  	_ =	swait.ge [sflag:s10], $0x1388  }
0x1b: {  	[sflag:s10] =	ssyncset.done $0x0  }
0x1c: {  	[sflag:s10] =	ssyncadd.s32 $0xFFFFEC78  }
0x1d: {  	[bflag:$0x0] =	sbarrier.arrive $0xFFFF  }
0x1e: {  	[tilespmem:s15], [sflag:$0x1] =	stream.indirect.gather [hbm4b:s5+s14], $0x40, s4, s14, $0xb8;
	[tilespmem:$0x1B260] =	vst v63  }
0x1f: {  	_ = 	snop  }
0x20: {  	[tilespmem:s16], [sflag:$0x2] =	stream.indirect.gather [hbm4b:s5+s14], $0x40, s14, s14, $0xb8;
	[tilespmem:$0x1B260] =	vst v63  }
0x21: {  	_ =	swait.ge [sflag:s17], $0x6400  }
0x22: {  	[sflag:s17] =	ssyncset.done $0x0  }
0x23: {  	s24 =	simm.s32 $0x2710;
	[sflag:s17] =	ssyncadd.s32 $0xFFFF9C00  }
0x24: {  	[spmem:s3] =	stream.indirect.scatter.add.f32 [tilespmem:s15], [sflag:$0x3], $0x40, s24, s14, $0xb8;
	[tilespmem:$0x1B260] =	vst v63  }
0x25: {  	_ =	swait.ge [sflag:s10], $0x6400  }
0x26: {  	[sflag:s10] =	ssyncset.done $0x0  }
0x27: {  	s30 =	simm.s32 $0x320;
	[sflag:s10] =	ssyncadd.s32 $0xFFFF9C00  }
0x28: {  	[tilespmem:s15], [sflag:$0x1] =	stream.indirect.gather [hbm4b:s5+s14], $0x40, s30, s14, $0xb8;
	[tilespmem:$0x1B260] =	vst v63  }
0x29: {  	_ =	swait.ge [sflag:s18], $0x6400  }
0x2a: {  	[sflag:s18] =	ssyncset.done $0x0  }
0x2b: {  	s31 =	simm.s32 $0x28A0;
	[sflag:s18] =	ssyncadd.s32 $0xFFFF9C00  }
0x2c: {  	[spmem:s3] =	stream.indirect.scatter.add.f32 [tilespmem:s16], [sflag:$0x3], $0x40, s31, s14, $0xb8;
	[tilespmem:$0x1B260] =	vst v63  }
0x2d: {  	_ =	swait.ge [sflag:s10], $0x6400  }
0x2e: {  	[sflag:s10] =	ssyncset.done $0x0  }
0x2f: {  	s25 =	simm.s32 $0x4B0;
	s24 =	simm.s32 $0xC80;
	[sflag:s10] =	ssyncadd.s32 $0xFFFF9C00  }
.LBB2_2:
0x30: {  	[tilespmem:s16], [sflag:$0x2] =	stream.indirect.gather [hbm4b:s5+s14], $0x40, s25, s14, $0xb8;
	[tilespmem:$0x1B260] =	vst v63  }
0x31: {  	s25 =	smov.u32 s24  }
0x32: {  	p0 =	sne.s32 s24, $0x7D00;
	s24 =	sadd.s32 $0xC80, s24;
	_ =	swait.ge [sflag:s17], $0x6400  }
0x33: {  	s25 =	sshra.s32 s25, $0x2;
	[sflag:s17] =	ssyncset.done $0x0  }
0x34: {  	s26 =	sadd.s32 $0x2710, s25;
	[sflag:s17] =	ssyncadd.s32 $0xFFFF9C00  }
0x35: {  	[spmem:s3] =	stream.indirect.scatter.add.f32 [tilespmem:s15], [sflag:$0x3], $0x40, s26, s14, $0xb8;
	[tilespmem:$0x1B260] =	vst v63  }
0x36: {  	_ =	swait.ge [sflag:s10], $0x6400  }
0x37: {  	[sflag:s10] =	ssyncset.done $0x0  }
0x38: {  	s26 =	sadd.s32 $0x320, s25;
	[sflag:s10] =	ssyncadd.s32 $0xFFFF9C00  }
0x39: {  	[tilespmem:s15], [sflag:$0x1] =	stream.indirect.gather [hbm4b:s5+s14], $0x40, s26, s14, $0xb8;
	[tilespmem:$0x1B260] =	vst v63  }
0x3a: {  	_ =	swait.ge [sflag:s18], $0x6400  }
0x3b: {  	[sflag:s18] =	ssyncset.done $0x0  }
.Ltmp0:
0x3c: {  	s26 =	sadd.s32 $0x28A0, s25;
	[sflag:s18] =	ssyncadd.s32 $0xFFFF9C00;
	(pc) =	sbr.rel @p0 .LBB2_2-.Ltmp0, $4  }
0x3d: {  	[spmem:s3] =	stream.indirect.scatter.add.f32 [tilespmem:s16], [sflag:$0x3], $0x40, s26, s14, $0xb8;
	[tilespmem:$0x1B260] =	vst v63  }
0x3e: {  	_ =	swait.ge [sflag:s10], $0x6400  }
0x3f: {  	[sflag:s10] =	ssyncset.done $0x0  }
0x40: {  	s25 =	sadd.s32 $0x4B0, s25;
	[sflag:s10] =	ssyncadd.s32 $0xFFFF9C00  }
0x41: {  	[tilespmem:s16], [sflag:$0x2] =	stream.indirect.gather [hbm4b:s5+s14], $0x40, s25, s14, $0xb8;
	[tilespmem:$0x1B260] =	vst v63  }
0x42: {  	_ =	swait.ge [sflag:s17], $0x6400  }
0x43: {  	[sflag:s17] =	ssyncset.done $0x0  }
0x44: {  	[sflag:s17] =	ssyncadd.s32 $0xFFFF9C00  }
0x45: {  	[spmem:s3] =	stream.indirect.scatter.add.f32 [tilespmem:s15], [sflag:$0x3], $0x40, s19, s14, $0xb8;
	[tilespmem:$0x1B260] =	vst v63  }
0x46: {  	_ =	swait.ge [sflag:s10], $0x6400  }
0x47: {  	[sflag:s10] =	ssyncset.done $0x0  }
0x48: {  	[sflag:s10] =	ssyncadd.s32 $0xFFFF9C00  }
0x49: {  	[tilespmem:s15], [sflag:$0x1] =	stream.indirect.gather [hbm4b:s5+s14], $0x40, s20, s14, $0xb8;
	[tilespmem:$0x1B260] =	vst v63  }
0x4a: {  	_ =	swait.ge [sflag:s18], $0x6400  }
0x4b: {  	[sflag:s18] =	ssyncset.done $0x0  }
0x4c: {  	[sflag:s18] =	ssyncadd.s32 $0xFFFF9C00  }
0x4d: {  	[spmem:s3] =	stream.indirect.scatter.add.f32 [tilespmem:s16], [sflag:$0x3], $0x40, s21, s14, $0xb8;
	[tilespmem:$0x1B260] =	vst v63  }
0x4e: {  	_ =	swait.ge [sflag:s10], $0x6400  }
0x4f: {  	[sflag:s10] =	ssyncset.done $0x0  }
0x50: {  	[sflag:s10] =	ssyncadd.s32 $0xFFFF9C00  }
0x51: {  	_ =	swait.ge [sflag:s17], $0x6400  }
0x52: {  	[sflag:s17] =	ssyncset.done $0x0  }
0x53: {  	[sflag:s17] =	ssyncadd.s32 $0xFFFF9C00  }
0x54: {  	[spmem:s3] =	stream.indirect.scatter.add.f32 [tilespmem:s15], [sflag:$0x3], $0x40, s22, s14, $0xb8;
	[tilespmem:$0x1B260] =	vst v63  }
0x55: {  	_ =	swait.ge [sflag:s10], $0x6400  }
0x56: {  	s23 =	sadd.s32 $0x1, s23;
	[sflag:s10] =	ssyncset.done $0x0  }
0x57: {  	p0 =	sne.s32 s23, s9;
	[sflag:s10] =	ssyncadd.s32 $0xFFFF9C00  }
.Ltmp1:
0x58: {  	[bflag:$0x0] =	sbarrier.arrive $0xFFFF;
	(pc) =	sbr.rel @p0 .LBB2_1-.Ltmp1, $4  }
0x59: {  	[hbm:s8], [sflag:s12] =	dma.local [spmem:s13], $0x1388  }
0x5a: {  	_ =	swait.ge [sflag:s10], $0x1388  }
0x5b: {  	[sflag:s10] =	ssyncset.done $0x0  }
0x5c: {  	[sflag:s10] =	ssyncadd.s32 $0xFFFFEC78  }
0x5d: {  	_ =	sfence.sel $0x180000  }
0x5e: {  	[bflag:$0x0] =	sbarrier.arrive $0xFFFF  }
0x5f: {  	p0 =	sne.s32 s1, $0x0;
	_ =	strace $0x9000004A  }
0x60: {  	s0 =	sadd.s32 @!p0 $0x100000, s0;
	[bflag:$0x2] =	sbarrier.arrive $0xFFFF  }
0x61: {  	[sflag:s0] =	ssyncadd.tile.s32 @!p0 $0x1;
	_ =	shalt  }
.Lfunc_end2:
_tile_overlayer_lowered:
.L_overlay_start_2:
0x62: {  	(tag) =	ssettag $0x2  }
0x63: {  	s0 =	rddreg [dreg:$0x0];
	s2 =	stileid.u32  }
0x64: {  	s1 =	rddreg [dreg:$0x1];
	p0 =	sne.s32 s2, $0x0  }
0x65: {  	s3 =	rddreg [dreg:$0x2];
	[bflag:$0x3] =	sbarrier.arrive $0xFFFF;
	s2 =	simm.s32 @!p0 $0x1C03  }
0x66: {  	[timem:s3], [sflag:s2] =	dma.local @!p0 [hbm:s0], s1  }
0x67: {  	s0 =	simm.s32 @!p0 $0x3  }
0x68: {  	_ =	swait.ge @!p0 [sflag:s0], s1  }
0x69: {  	s1 =	ssub.s32 @!p0 $0x0, s1;
	[sflag:s0] =	ssyncset.done @!p0 $0x0  }
0x6a: {  	[sflag:s0] =	ssyncadd.s32 @!p0 s1  }
0x6b: {  	[bflag:$0x3] =	sbarrier.arrive $0xFFFF  }
0x6c: {  	_ =	shalt  }

// kernel: kernel.14.cloned.1.call-start
scs
__scs_entry_jumppad:
0x0: {  	(pc) =	sbr.rel $0x88, $3  }
0x1: {  	(tag) =	ssettag $0x0;
	lr =	simm.s32 $0x1  }
0x2: {  	[smem:$0x3F9B] =	sst lr;
	_ =	strace $0xD0000000  }
0x3: {  	_ = 	snop  }
0x4: {  	_ = 	snop  }
0x5: {  	_ = 	snop  }
0x6: {  	_ = 	snop  }
0x7: {  	_ = 	snop  }
__scs_overlays_trampoline_lowered:
0x8: {  	[smem:$0x3FAA] =	sst s0  }
0x9: {  	[smem:$0x3FAB] =	sst s1  }
0xa: {  	[smem:$0x3FAC] =	sst s2  }
0xb: {  	[smem:$0x3FAD] =	sst s3  }
0xc: {  	[smem:$0x3FAE] =	sst s4  }
0xd: {  	[smem:$0x3FAF] =	sst s5  }
0xe: {  	[smem:$0x3FB0] =	sst s6  }
0xf: {  	[smem:$0x3FB1] =	sst s7  }
0x10: {  	[smem:$0x3FB2] =	sst s8  }
0x11: {  	[smem:$0x3FB3] =	sst s9;
	s0 =	simm.s32 @!p0 $0x0  }
0x12: {  	s1 =	sld [smem:$0x3F99];
	s0 =	simm.s32 @p0 $0x1  }
0x13: {  	[smem:$0x3FB4] =	sst s0;
	s0 =	simm.s32 @!p1 $0x0  }
0x14: {  	s2 =	sld [smem:$0x3F98];
	s0 =	simm.s32 @p1 $0x1  }
0x15: {  	[smem:$0x3FB5] =	sst s0;
	s0 =	simm.s32 @!p2 $0x0  }
0x16: {  	s3 =	sld [smem:$0x3FDB];
	s0 =	simm.s32 @p2 $0x1  }
0x17: {  	s4 =	simm.s32 $0x1BF5;
	[smem:$0x3FB7] =	sst s0  }
0x18: {  	s0 =	sld [smem:$0x3F9A];
	_ =	swait.ge [sflag:s4], $0x0  }
0x19: {  	s7 =	sld [smem:$0x3F9B]  }
0x1a: {  	s8 =	sadd.s32 $0xFFFFE003, lr  }
0x1b: {  	s9 =	sadd.s32 $0xFFFFFEF7, lr;
	s5 =	simm.s32 $0xFFFFFFFF;
	p2 =	slt.u32 s8, $0xFFFFF086  }
0x1c: {  	p1 =	slt.u32 s9, $0xF7A;
	s5 =	simm.s32 @!p2 $0x0  }
0x1d: {  	s5 =	simm.s32 @p1 $0x1;
	p0 =	seq.s32 s7, s2  }
0x1e: {  	s7 =	smul.u32 @!p0 $0xF7A, s2;
	p2 =	seq.s32 @!p0 s5, $0x0  }
0x1f: {  	s9 =	smul.u32 $0xF7A, s1;
	s8 =	simm.s32 @!p0 $0x1BF5;
	p2 =	por !p2, p0  }
0x20: {  	[sflag:s8] =	ssyncset.s32 @!p0 $0xFFFFF086;
	s6 =	sadd.s32 @!p0 s3, s7;
	s7 =	simm.s32 @!p0 $0x108  }
0x21: {  	s3 =	sadd.s32 s3, s9;
	s6 =	sadd.s32 @!p0 $0x88, s6;
	s7 =	simm.s32 @p2 $0x1082  }
0x22: {  	[simem:s7], [sflag:s8] =	dma.local @!p0 [hbm:s6], $0xF7A  }
0x23: {  	s9 =	sor.u32 $0xD0000000, s2;
	s6 =	simm.s32 $0x108;
	_ =	swait.ge @!p0 [sflag:s8], $0x0  }
0x24: {  	s3 =	sadd.s32 $0x88, s3;
	s6 =	simm.s32 @!p1 $0x1082;
	[sflag:s4] =	ssyncset.s32 $0xFFFFF086  }
0x25: {  	[simem:s6], [sflag:s4] =	dma.local [hbm:s3], $0xF7A  }
0x26: {  	[smem:$0x3F9B] =	sst s1;
	(tag) =	ssettag s2;
	_ =	strace s9  }
0x27: {  	s1 =	sld [smem:$0x3FAB]  }
0x28: {  	s2 =	sld [smem:$0x3FAC]  }
0x29: {  	s4 =	sld [smem:$0x3FAE]  }
0x2a: {  	p0 =	seq.s32 s5, $0x0;
	s5 =	sld [smem:$0x3FAF]  }
0x2b: {  	s6 =	sld [smem:$0x3FB0]  }
0x2c: {  	s7 =	sld [smem:$0x3FB1]  }
0x2d: {  	s3 =	simm.s32 $0x108;
	s8 =	sld [smem:$0x3FB2]  }
0x2e: {  	s3 =	simm.s32 @!p0 $0x1082;
	s9 =	sld [smem:$0x3FB3]  }
0x2f: {  	lr =	sadd.s32 s0, s3;
	s0 =	sld [smem:$0x3FAA]  }
0x30: {  	s3 =	sld [smem:$0x3FAD]  }
0x31: {  	[smem:$0x3FB6] =	sst s10  }
0x32: {  	s10 =	sld [smem:$0x3FB4];
	_ =	sdelay $0x3  }
0x33: {  	p0 =	seq.s32 s10, $0x1;
	s10 =	sld [smem:$0x3FB6];
	_ =	sdelay $0x3  }
0x34: {  	[smem:$0x3FB6] =	sst s10  }
0x35: {  	s10 =	sld [smem:$0x3FB5];
	_ =	sdelay $0x3  }
0x36: {  	p1 =	seq.s32 s10, $0x1;
	s10 =	sld [smem:$0x3FB6];
	_ =	sdelay $0x3  }
0x37: {  	[smem:$0x3FB6] =	sst s10  }
0x38: {  	s10 =	sld [smem:$0x3FB7]  }
0x39: {  	_ = 	snop;
	(pc) =	sbr.ind lr, $3  }
0x3a: {  	_ = 	snop  }
0x3b: {  	_ = 	snop  }
0x3c: {  	p2 =	seq.s32 s10, $0x1;
	s10 =	sld [smem:$0x3FB6]  }
0x3d: {  	_ =	shalt  }
0x3e: {  	_ =	shalt  }
0x3f: {  	_ =	shalt  }
0x40: {  	_ =	shalt  }
0x41: {  	_ =	shalt  }
0x42: {  	_ =	shalt  }
0x43: {  	_ =	shalt  }
0x44: {  	_ =	shalt  }
0x45: {  	_ =	shalt  }
0x46: {  	_ =	shalt  }
0x47: {  	_ =	shalt  }
0x48: {  	_ =	shalt  }
0x49: {  	_ =	shalt  }
0x4a: {  	_ =	shalt  }
0x4b: {  	_ =	shalt  }
0x4c: {  	_ =	shalt  }
0x4d: {  	_ =	shalt  }
0x4e: {  	_ =	shalt  }
0x4f: {  	_ =	shalt  }
0x50: {  	_ =	shalt  }
0x51: {  	_ =	shalt  }
0x52: {  	_ =	shalt  }
0x53: {  	_ =	shalt  }
0x54: {  	_ =	shalt  }
0x55: {  	_ =	shalt  }
0x56: {  	_ =	shalt  }
0x57: {  	_ =	shalt  }
0x58: {  	_ =	shalt  }
0x59: {  	_ =	shalt  }
0x5a: {  	_ =	shalt  }
0x5b: {  	_ =	shalt  }
0x5c: {  	_ =	shalt  }
0x5d: {  	_ =	shalt  }
0x5e: {  	_ =	shalt  }
0x5f: {  	_ =	shalt  }
0x60: {  	_ =	shalt  }
0x61: {  	_ =	shalt  }
0x62: {  	_ =	shalt  }
0x63: {  	_ =	shalt  }
0x64: {  	_ =	shalt  }
0x65: {  	_ =	shalt  }
0x66: {  	_ =	shalt  }
0x67: {  	_ =	shalt  }
0x68: {  	_ =	shalt  }
0x69: {  	_ =	shalt  }
0x6a: {  	_ =	shalt  }
0x6b: {  	_ =	shalt  }
0x6c: {  	_ =	shalt  }
0x6d: {  	_ =	shalt  }
0x6e: {  	_ =	shalt  }
0x6f: {  	_ =	shalt  }
0x70: {  	_ =	shalt  }
0x71: {  	_ =	shalt  }
0x72: {  	_ =	shalt  }
0x73: {  	_ =	shalt  }
0x74: {  	_ =	shalt  }
0x75: {  	_ =	shalt  }
0x76: {  	_ =	shalt  }
0x77: {  	_ =	shalt  }
0x78: {  	_ =	shalt  }
0x79: {  	_ =	shalt  }
0x7a: {  	_ =	shalt  }
0x7b: {  	_ =	shalt  }
0x7c: {  	_ =	shalt  }
0x7d: {  	_ =	shalt  }
0x7e: {  	_ =	shalt  }
0x7f: {  	_ =	shalt  }
0x80: {  	_ =	shalt  }
0x81: {  	_ =	shalt  }
0x82: {  	_ =	shalt  }
0x83: {  	_ =	shalt  }
0x84: {  	_ =	shalt  }
0x85: {  	_ =	shalt  }
0x86: {  	_ =	shalt  }
0x87: {  	_ =	shalt  }
.Lfunc_end0:
.L_simem_size_0:
called_computation.2_lowered:
.L_overlay_start_0:
0x88: {  	s2 =	sld [smem:$0x3FD9]  }
0x89: {  	s3 =	sld [smem:$0x3FFE];
	_ =	sdelay $0x1  }
0x8a: {  	s1 =	srdreg.scid  }
0x8b: {  	s0 =	sand.u32 $0x1, s1  }
0x8c: {  	s17 =	sshll.u32 s0, $0xA;
	s2 =	sadd.s32 s3, s2  }
0x8d: {  	s2 =	sadd.s32 s2, s17  }
0x8e: {  	[smem:$0x3FC2] =	sst s2  }
0x8f: {  	_ = 	snop  }
0x90: {  	s2 =	sld [smem:$0x3FD0];
	(tm) =	ssettm $0x1  }
0x91: {  	s18 =	sld [smem:$0x3FFB];
	_ =	sdelay $0x3  }
0x92: {  	_ =	strace s18  }
0x93: {  	s3 =	sld [smem:$0x3FFC];
	_ =	sdelay $0x3  }
0x94: {  	_ =	strace s3  }
0x95: {  	s3 =	sld [smem:$0x3FFD];
	_ =	sdelay $0x3  }
0x96: {  	_ =	strace s3  }
0x97: {  	_ =	strace $0x8FFFFFFF  }
0x98: {  	s19 =	sld [smem:$0x3FDB];
	_ =	sdelay $0x1  }
0x99: {  	s4 =	simm.s32 $_scs_section_size  }
0x9a: {  	s5 =	simm.s32 $_size__tile_overlayer_lowered;
	s6 =	simm.s32 $_tile_overlayer_lowered  }
0x9b: {  	s22 =	simm.s32 $0x1BFF;
	s21 =	sshll.u32 s6, $0x1;
	s3 =	sadd.s32 s4, s19  }
0x9c: {  	s7 =	simm.s32 $0x0;
	s20 =	sshll.u32 s5, $0x1;
	s5 =	sadd.s32 s21, s3  }
0x9d: {  	[timem:s7], [sflag:s22] =	dma.local [hbm:s5], s20  }
0x9e: {  	_ =	swait.ge [sflag:s22], s20  }
0x9f: {  	s4 =	ssub.s32 $0x0, s20;
	[sflag:s22] =	ssyncset.done $0x0  }
0xa0: {  	[sflag:s22] =	ssyncadd.s32 s4;
	_ =	sdelay $0x1  }
0xa1: {  	s23 =	simm.s32 $0x1B8B  }
0xa2: {  	_ =	swait.ge [sflag:s23], $0x1  }
0xa3: {  	[sflag:s23] =	ssyncset.done $0x0  }
0xa4: {  	s25 =	simm.s32 $0x1B8E;
	s24 =	sld [smem:$0x3FFE];
	[sflag:s23] =	ssyncadd.s32 $0xFFFFFFFF  }
0xa5: {  	s26 =	simm.s32 $execute0_lowered;
	[smem:$0x3FD2] =	sst s25  }
0xa6: {  	s5 =	sshll.u32 s26, $0x1;
	_ =	strace $0x8000004C;
	[dreg:$0x1] =	wrdreg $0xFFFFFFFF  }
0xa7: {  	s28 =	simm.s32 $_size_execute0_lowered;
	s3 =	sadd.s32 s3, s5;
	[dreg:$0x0] =	wrdreg $0x0  }
0xa8: {  	s5 =	sshll.u32 s28, $0x1;
	[dreg:$0x2] =	wrdreg s3  }
0xa9: {  	[dreg:$0x3] =	wrdreg s5  }
0xaa: {  	[dreg:$0x4] =	wrdreg $0xC0  }
0xab: {  	_ =	task [dreg:s7], $0x5FFFF  }
0xac: {  	[dreg:$0x1] =	wrdreg $0xFFFFFFFF  }
0xad: {  	[dreg:$0x0] =	wrdreg $0x60  }
0xae: {  	[dreg:$0x2] =	wrdreg s2  }
0xaf: {  	[dreg:$0x3] =	wrdreg s24  }
0xb0: {  	[dreg:$0x4] =	wrdreg $0xCB200  }
0xb1: {  	[dreg:$0x5] =	wrdreg $0x9  }
0xb2: {  	_ =	task.clear_ibuf [dreg:s7], $0x6FFFF;
	_ =	strace $0x9000004C  }
0xb3: {  	s29 =	simm.s32 $0x9;
	_ =	strace $0x8000004E  }
0xb4: {  	_ =	swait.ge [sflag:s29], $0x1  }
0xb5: {  	[sflag:s29] =	ssyncadd.s32 $0xFFFFFFFF  }
0xb6: {  	_ =	strace $0x9000004E  }
0xb7: {  	_ =	sfence  }
0xb8: {  	s30 =	sld [smem:$0x0];
	_ =	sdelay $0x2  }
0xb9: {  	s31 =	sshll.u32 s1, $0xD;
	s1 =	sshrl.u32 s1, $0x2  }
0xba: {  	s3 =	sand.u32 $0x4000, s31;
	s1 =	sadd.s32 s1, s30  }
0xbb: {  	s0 =	sor.u32 s3, s0;
	s1 =	sshll.u32 s1, $0x11  }
0xbc: {  	s0 =	sor.u32 s1, s0  }
0xbd: {  	s0 =	sadd.s32 $0x8F2B, s0  }
0xbe: {  	[sflag:s0] =	ssyncadd.remote.s32 $0x1  }
0xbf: {  	_ =	sfence.sel $0xFFFF  }
0xc0: {  	[dreg:$0x0] =	wrdreg $0xFFFFFFFF;
	(pc) =	sbr.abs _section_cstart, $3  }
0xc1: {  	[dreg:$0x1] =	wrdreg $0xFFFFFFFF  }
0xc2: {  	_ =	task.clear_ibuf [dreg:s7], $0x2FFFF;
	_ =	strace $0x9FFFFFFF  }
0xc3: {  	(tm) =	ssettm $0x7FFFFFFF  }
tec
execute0_lowered:
.L_overlay_start_1:
0x0: {  	(tag) =	ssettag $0x1  }
0x1: {  	s2 =	rddreg [dreg:$0x0]  }
0x2: {  	s6 =	rddreg [dreg:$0x1]  }
0x3: {  	s0 =	srdreg.scid;
	s3 =	rddreg [dreg:$0x2];
	s4 =	simm.s32 $0x0  }
0x4: {  	s11 =	simm.s32 $0x2710;
	s14 =	simm.s32 $0x190;
	s15 =	simm.s32 $0x4E20  }
0x5: {  	s16 =	simm.s32 $0x8CA0;
	s17 =	simm.s32 $0x1;
	s18 =	simm.s32 $0x2  }
0x6: {  	s19 =	simm.s32 $0x4970;
	s20 =	simm.s32 $0x2580;
	s21 =	simm.s32 $0x4B00  }
0x7: {  	s22 =	simm.s32 $0x4C90;
	s5 =	sand.u32 $0x1, s0;
	s0 =	stileid.u32  }
0x8: {  	s23 =	simm.s32 $0x0;
	[smem:$0x7FF] =	sst s4;
	s8 =	smul.u32 $0x61A8, s0  }
0x9: {  	s1 =	sshll.u32 s5, $0x4;
	s9 =	smul.u32 $0x61A80, s5;
	s10 =	ssub.s32 $0x2, s5  }
0xa: {  	s5 =	sadd.s32 $0x15800, s6;
	s12 =	sshll.u32 s0, $0x6;
	s1 =	sor.u32 s0, s1  }
0xb: {  	s31 =	sshrl.u32 s10, $0x1;
	s12 =	sor.u32 $0x1C03, s12;
	s7 =	smul.u32 $0x2710, s1  }
0xc: {  	s1 =	rddreg [dreg:$0x3];
	_ =	strace $0x8000004D;
	s9 =	sadd.s32 s8, s9  }
0xd: {  	s10 =	ssub.s32 s10, s31;
	s13 =	sadd.s32 s8, s3;
	s9 =	sshrl.u32 s9, $0x3  }
0xe: {  	s13 =	sshrl.u32 s13, $0x3;
	s7 =	sshrl.u32 s7, $0x3;
	s9 =	sadd.s32 s9, s6  }
0xf: {  	s7 =	sadd.s32 s7, s6;
	s8 =	sadd.s32 $0x16600, s9;
	s9 =	smax.u32 s10, $0x1  }
0x10: {  	s10 =	simm.s32 $0x3;
	s6 =	sadd.s32 $0x1E00, s7;
	s7 =	sadd.s32 $0xBA40, s7  }
.LBB2_1:
0x11: {  	[tilespmem:s4], [sflag:$0x3] =	stream.linear.gather [hbm4b:s6+s4], $0x2710, $0x38;
	[tilespmem:$0x12CC8] =	vst v63  }
0x12: {  	_ =	swait.ge [sflag:s10], $0x2710  }
0x13: {  	[sflag:s10] =	ssyncset.done $0x0  }
0x14: {  	[sflag:s10] =	ssyncadd.s32 $0xFFFFD8F0  }
0x15: {  	[tilespmem:s11], [sflag:$0x3] =	stream.linear.gather [hbm4b:s7+s4], $0x2710, $0x38;
	[tilespmem:$0x12CC8] =	vst v63  }
0x16: {  	_ =	swait.ge [sflag:s10], $0x2710  }
0x17: {  	[sflag:s10] =	ssyncset.done $0x0  }
0x18: {  	[sflag:s10] =	ssyncadd.s32 $0xFFFFD8F0  }
0x19: {  	[spmem:s13], [sflag:s12] =	dma.local [hbm:s5], $0xC35  }
0x1a: {  	_ =	swait.ge [sflag:s10], $0xC35  }
0x1b: {  	[sflag:s10] =	ssyncset.done $0x0  }
0x1c: {  	[sflag:s10] =	ssyncadd.s32 $0xFFFFF3CB  }
0x1d: {  	[bflag:$0x0] =	sbarrier.arrive $0xFFFF  }
0x1e: {  	[tilespmem:s15], [sflag:$0x1] =	stream.indirect.gather [hbm4b:s2+s14], $0x28, s4, s14, $0xb8;
	[tilespmem:$0x12CC8] =	vst v63  }
0x1f: {  	_ = 	snop  }
0x20: {  	[tilespmem:s16], [sflag:$0x2] =	stream.indirect.gather [hbm4b:s2+s14], $0x28, s14, s14, $0xb8;
	[tilespmem:$0x12CC8] =	vst v63  }
0x21: {  	_ =	swait.ge [sflag:s17], $0x3E80  }
0x22: {  	[sflag:s17] =	ssyncset.done $0x0  }
0x23: {  	s24 =	simm.s32 $0x2710;
	[sflag:s17] =	ssyncadd.s32 $0xFFFFC180  }
0x24: {  	[spmem:s3] =	stream.indirect.scatter.add.f32 [tilespmem:s15], [sflag:$0x3], $0x28, s24, s14, $0xb8;
	[tilespmem:$0x12CC8] =	vst v63  }
0x25: {  	_ =	swait.ge [sflag:s10], $0x3E80  }
0x26: {  	[sflag:s10] =	ssyncset.done $0x0  }
0x27: {  	s30 =	simm.s32 $0x320;
	[sflag:s10] =	ssyncadd.s32 $0xFFFFC180  }
0x28: {  	[tilespmem:s15], [sflag:$0x1] =	stream.indirect.gather [hbm4b:s2+s14], $0x28, s30, s14, $0xb8;
	[tilespmem:$0x12CC8] =	vst v63  }
0x29: {  	_ =	swait.ge [sflag:s18], $0x3E80  }
0x2a: {  	[sflag:s18] =	ssyncset.done $0x0  }
0x2b: {  	s31 =	simm.s32 $0x28A0;
	[sflag:s18] =	ssyncadd.s32 $0xFFFFC180  }
0x2c: {  	[spmem:s3] =	stream.indirect.scatter.add.f32 [tilespmem:s16], [sflag:$0x3], $0x28, s31, s14, $0xb8;
	[tilespmem:$0x12CC8] =	vst v63  }
0x2d: {  	_ =	swait.ge [sflag:s10], $0x3E80  }
0x2e: {  	[sflag:s10] =	ssyncset.done $0x0  }
0x2f: {  	s25 =	simm.s32 $0x4B0;
	s24 =	simm.s32 $0xC80;
	[sflag:s10] =	ssyncadd.s32 $0xFFFFC180  }
.LBB2_2:
0x30: {  	[tilespmem:s16], [sflag:$0x2] =	stream.indirect.gather [hbm4b:s2+s14], $0x28, s25, s14, $0xb8;
	[tilespmem:$0x12CC8] =	vst v63  }
0x31: {  	s25 =	smov.u32 s24  }
0x32: {  	p0 =	sne.s32 s24, $0x7D00;
	s24 =	sadd.s32 $0xC80, s24;
	_ =	swait.ge [sflag:s17], $0x3E80  }
0x33: {  	s25 =	sshra.s32 s25, $0x2;
	[sflag:s17] =	ssyncset.done $0x0  }
0x34: {  	s26 =	sadd.s32 $0x2710, s25;
	[sflag:s17] =	ssyncadd.s32 $0xFFFFC180  }
0x35: {  	[spmem:s3] =	stream.indirect.scatter.add.f32 [tilespmem:s15], [sflag:$0x3], $0x28, s26, s14, $0xb8;
	[tilespmem:$0x12CC8] =	vst v63  }
0x36: {  	_ =	swait.ge [sflag:s10], $0x3E80  }
0x37: {  	[sflag:s10] =	ssyncset.done $0x0  }
0x38: {  	s26 =	sadd.s32 $0x320, s25;
	[sflag:s10] =	ssyncadd.s32 $0xFFFFC180  }
0x39: {  	[tilespmem:s15], [sflag:$0x1] =	stream.indirect.gather [hbm4b:s2+s14], $0x28, s26, s14, $0xb8;
	[tilespmem:$0x12CC8] =	vst v63  }
0x3a: {  	_ =	swait.ge [sflag:s18], $0x3E80  }
0x3b: {  	[sflag:s18] =	ssyncset.done $0x0  }
.Ltmp0:
0x3c: {  	s26 =	sadd.s32 $0x28A0, s25;
	[sflag:s18] =	ssyncadd.s32 $0xFFFFC180;
	(pc) =	sbr.rel @p0 .LBB2_2-.Ltmp0, $4  }
0x3d: {  	[spmem:s3] =	stream.indirect.scatter.add.f32 [tilespmem:s16], [sflag:$0x3], $0x28, s26, s14, $0xb8;
	[tilespmem:$0x12CC8] =	vst v63  }
0x3e: {  	_ =	swait.ge [sflag:s10], $0x3E80  }
0x3f: {  	[sflag:s10] =	ssyncset.done $0x0  }
0x40: {  	s25 =	sadd.s32 $0x4B0, s25;
	[sflag:s10] =	ssyncadd.s32 $0xFFFFC180  }
0x41: {  	[tilespmem:s16], [sflag:$0x2] =	stream.indirect.gather [hbm4b:s2+s14], $0x28, s25, s14, $0xb8;
	[tilespmem:$0x12CC8] =	vst v63  }
0x42: {  	_ =	swait.ge [sflag:s17], $0x3E80  }
0x43: {  	[sflag:s17] =	ssyncset.done $0x0  }
0x44: {  	[sflag:s17] =	ssyncadd.s32 $0xFFFFC180  }
0x45: {  	[spmem:s3] =	stream.indirect.scatter.add.f32 [tilespmem:s15], [sflag:$0x3], $0x28, s19, s14, $0xb8;
	[tilespmem:$0x12CC8] =	vst v63  }
0x46: {  	_ =	swait.ge [sflag:s10], $0x3E80  }
0x47: {  	[sflag:s10] =	ssyncset.done $0x0  }
0x48: {  	[sflag:s10] =	ssyncadd.s32 $0xFFFFC180  }
0x49: {  	[tilespmem:s15], [sflag:$0x1] =	stream.indirect.gather [hbm4b:s2+s14], $0x28, s20, s14, $0xb8;
	[tilespmem:$0x12CC8] =	vst v63  }
0x4a: {  	_ =	swait.ge [sflag:s18], $0x3E80  }
0x4b: {  	[sflag:s18] =	ssyncset.done $0x0  }
0x4c: {  	[sflag:s18] =	ssyncadd.s32 $0xFFFFC180  }
0x4d: {  	[spmem:s3] =	stream.indirect.scatter.add.f32 [tilespmem:s16], [sflag:$0x3], $0x28, s21, s14, $0xb8;
	[tilespmem:$0x12CC8] =	vst v63  }
0x4e: {  	_ =	swait.ge [sflag:s10], $0x3E80  }
0x4f: {  	[sflag:s10] =	ssyncset.done $0x0  }
0x50: {  	[sflag:s10] =	ssyncadd.s32 $0xFFFFC180  }
0x51: {  	_ =	swait.ge [sflag:s17], $0x3E80  }
0x52: {  	[sflag:s17] =	ssyncset.done $0x0  }
0x53: {  	[sflag:s17] =	ssyncadd.s32 $0xFFFFC180  }
0x54: {  	[spmem:s3] =	stream.indirect.scatter.add.f32 [tilespmem:s15], [sflag:$0x3], $0x28, s22, s14, $0xb8;
	[tilespmem:$0x12CC8] =	vst v63  }
0x55: {  	_ =	swait.ge [sflag:s10], $0x3E80  }
0x56: {  	s23 =	sadd.s32 $0x1, s23;
	[sflag:s10] =	ssyncset.done $0x0  }
0x57: {  	p0 =	sne.s32 s23, s9;
	[sflag:s10] =	ssyncadd.s32 $0xFFFFC180  }
.Ltmp1:
0x58: {  	[bflag:$0x0] =	sbarrier.arrive $0xFFFF;
	(pc) =	sbr.rel @p0 .LBB2_1-.Ltmp1, $4  }
0x59: {  	[hbm:s8], [sflag:s12] =	dma.local [spmem:s13], $0xC35  }
0x5a: {  	_ =	swait.ge [sflag:s10], $0xC35  }
0x5b: {  	[sflag:s10] =	ssyncset.done $0x0  }
0x5c: {  	[sflag:s10] =	ssyncadd.s32 $0xFFFFF3CB  }
0x5d: {  	_ =	sfence.sel $0x180000  }
0x5e: {  	[bflag:$0x0] =	sbarrier.arrive $0xFFFF  }
0x5f: {  	p0 =	sne.s32 s0, $0x0;
	_ =	strace $0x9000004D  }
0x60: {  	s0 =	sadd.s32 @!p0 $0x100000, s1;
	[bflag:$0x2] =	sbarrier.arrive $0xFFFF  }
0x61: {  	[sflag:s0] =	ssyncadd.tile.s32 @!p0 $0x1;
	_ =	shalt  }
.Lfunc_end2:
_tile_overlayer_lowered:
.L_overlay_start_2:
0x62: {  	(tag) =	ssettag $0x2  }
0x63: {  	s0 =	rddreg [dreg:$0x0];
	s2 =	stileid.u32  }
0x64: {  	s1 =	rddreg [dreg:$0x1];
	p0 =	sne.s32 s2, $0x0  }
0x65: {  	s3 =	rddreg [dreg:$0x2];
	[bflag:$0x3] =	sbarrier.arrive $0xFFFF;
	s2 =	simm.s32 @!p0 $0x1C03  }
0x66: {  	[timem:s3], [sflag:s2] =	dma.local @!p0 [hbm:s0], s1  }
0x67: {  	s0 =	simm.s32 @!p0 $0x3  }
0x68: {  	_ =	swait.ge @!p0 [sflag:s0], s1  }
0x69: {  	s1 =	ssub.s32 @!p0 $0x0, s1;
	[sflag:s0] =	ssyncset.done @!p0 $0x0  }
0x6a: {  	[sflag:s0] =	ssyncadd.s32 @!p0 s1  }
0x6b: {  	[bflag:$0x3] =	sbarrier.arrive $0xFFFF  }
0x6c: {  	_ =	shalt  }

// kernel: kernel.8.cloned.1.call-start
scs
__scs_entry_jumppad:
0x0: {  	(pc) =	sbr.rel $0x88, $3  }
0x1: {  	(tag) =	ssettag $0x0;
	lr =	simm.s32 $0x1  }
0x2: {  	[smem:$0x3F9B] =	sst lr;
	_ =	strace $0xD0000000  }
0x3: {  	_ = 	snop  }
0x4: {  	_ = 	snop  }
0x5: {  	_ = 	snop  }
0x6: {  	_ = 	snop  }
0x7: {  	_ = 	snop  }
__scs_overlays_trampoline_lowered:
0x8: {  	[smem:$0x3FAA] =	sst s0  }
0x9: {  	[smem:$0x3FAB] =	sst s1  }
0xa: {  	[smem:$0x3FAC] =	sst s2  }
0xb: {  	[smem:$0x3FAD] =	sst s3  }
0xc: {  	[smem:$0x3FAE] =	sst s4  }
0xd: {  	[smem:$0x3FAF] =	sst s5  }
0xe: {  	[smem:$0x3FB0] =	sst s6  }
0xf: {  	[smem:$0x3FB1] =	sst s7  }
0x10: {  	[smem:$0x3FB2] =	sst s8  }
0x11: {  	[smem:$0x3FB3] =	sst s9;
	s0 =	simm.s32 @!p0 $0x0  }
0x12: {  	s1 =	sld [smem:$0x3F99];
	s0 =	simm.s32 @p0 $0x1  }
0x13: {  	[smem:$0x3FB4] =	sst s0;
	s0 =	simm.s32 @!p1 $0x0  }
0x14: {  	s2 =	sld [smem:$0x3F98];
	s0 =	simm.s32 @p1 $0x1  }
0x15: {  	[smem:$0x3FB5] =	sst s0;
	s0 =	simm.s32 @!p2 $0x0  }
0x16: {  	s3 =	sld [smem:$0x3FDB];
	s0 =	simm.s32 @p2 $0x1  }
0x17: {  	s4 =	simm.s32 $0x1BF5;
	[smem:$0x3FB7] =	sst s0  }
0x18: {  	s0 =	sld [smem:$0x3F9A];
	_ =	swait.ge [sflag:s4], $0x0  }
0x19: {  	s7 =	sld [smem:$0x3F9B]  }
0x1a: {  	s8 =	sadd.s32 $0xFFFFE003, lr  }
0x1b: {  	s9 =	sadd.s32 $0xFFFFFEF7, lr;
	s5 =	simm.s32 $0xFFFFFFFF;
	p2 =	slt.u32 s8, $0xFFFFF086  }
0x1c: {  	p1 =	slt.u32 s9, $0xF7A;
	s5 =	simm.s32 @!p2 $0x0  }
0x1d: {  	s5 =	simm.s32 @p1 $0x1;
	p0 =	seq.s32 s7, s2  }
0x1e: {  	s7 =	smul.u32 @!p0 $0xF7A, s2;
	p2 =	seq.s32 @!p0 s5, $0x0  }
0x1f: {  	s9 =	smul.u32 $0xF7A, s1;
	s8 =	simm.s32 @!p0 $0x1BF5;
	p2 =	por !p2, p0  }
0x20: {  	[sflag:s8] =	ssyncset.s32 @!p0 $0xFFFFF086;
	s6 =	sadd.s32 @!p0 s3, s7;
	s7 =	simm.s32 @!p0 $0x108  }
0x21: {  	s3 =	sadd.s32 s3, s9;
	s6 =	sadd.s32 @!p0 $0x88, s6;
	s7 =	simm.s32 @p2 $0x1082  }
0x22: {  	[simem:s7], [sflag:s8] =	dma.local @!p0 [hbm:s6], $0xF7A  }
0x23: {  	s9 =	sor.u32 $0xD0000000, s2;
	s6 =	simm.s32 $0x108;
	_ =	swait.ge @!p0 [sflag:s8], $0x0  }
0x24: {  	s3 =	sadd.s32 $0x88, s3;
	s6 =	simm.s32 @!p1 $0x1082;
	[sflag:s4] =	ssyncset.s32 $0xFFFFF086  }
0x25: {  	[simem:s6], [sflag:s4] =	dma.local [hbm:s3], $0xF7A  }
0x26: {  	[smem:$0x3F9B] =	sst s1;
	(tag) =	ssettag s2;
	_ =	strace s9  }
0x27: {  	s1 =	sld [smem:$0x3FAB]  }
0x28: {  	s2 =	sld [smem:$0x3FAC]  }
0x29: {  	s4 =	sld [smem:$0x3FAE]  }
0x2a: {  	p0 =	seq.s32 s5, $0x0;
	s5 =	sld [smem:$0x3FAF]  }
0x2b: {  	s6 =	sld [smem:$0x3FB0]  }
0x2c: {  	s7 =	sld [smem:$0x3FB1]  }
0x2d: {  	s3 =	simm.s32 $0x108;
	s8 =	sld [smem:$0x3FB2]  }
0x2e: {  	s3 =	simm.s32 @!p0 $0x1082;
	s9 =	sld [smem:$0x3FB3]  }
0x2f: {  	lr =	sadd.s32 s0, s3;
	s0 =	sld [smem:$0x3FAA]  }
0x30: {  	s3 =	sld [smem:$0x3FAD]  }
0x31: {  	[smem:$0x3FB6] =	sst s10  }
0x32: {  	s10 =	sld [smem:$0x3FB4];
	_ =	sdelay $0x3  }
0x33: {  	p0 =	seq.s32 s10, $0x1;
	s10 =	sld [smem:$0x3FB6];
	_ =	sdelay $0x3  }
0x34: {  	[smem:$0x3FB6] =	sst s10  }
0x35: {  	s10 =	sld [smem:$0x3FB5];
	_ =	sdelay $0x3  }
0x36: {  	p1 =	seq.s32 s10, $0x1;
	s10 =	sld [smem:$0x3FB6];
	_ =	sdelay $0x3  }
0x37: {  	[smem:$0x3FB6] =	sst s10  }
0x38: {  	s10 =	sld [smem:$0x3FB7]  }
0x39: {  	_ = 	snop;
	(pc) =	sbr.ind lr, $3  }
0x3a: {  	_ = 	snop  }
0x3b: {  	_ = 	snop  }
0x3c: {  	p2 =	seq.s32 s10, $0x1;
	s10 =	sld [smem:$0x3FB6]  }
0x3d: {  	_ =	shalt  }
0x3e: {  	_ =	shalt  }
0x3f: {  	_ =	shalt  }
0x40: {  	_ =	shalt  }
0x41: {  	_ =	shalt  }
0x42: {  	_ =	shalt  }
0x43: {  	_ =	shalt  }
0x44: {  	_ =	shalt  }
0x45: {  	_ =	shalt  }
0x46: {  	_ =	shalt  }
0x47: {  	_ =	shalt  }
0x48: {  	_ =	shalt  }
0x49: {  	_ =	shalt  }
0x4a: {  	_ =	shalt  }
0x4b: {  	_ =	shalt  }
0x4c: {  	_ =	shalt  }
0x4d: {  	_ =	shalt  }
0x4e: {  	_ =	shalt  }
0x4f: {  	_ =	shalt  }
0x50: {  	_ =	shalt  }
0x51: {  	_ =	shalt  }
0x52: {  	_ =	shalt  }
0x53: {  	_ =	shalt  }
0x54: {  	_ =	shalt  }
0x55: {  	_ =	shalt  }
0x56: {  	_ =	shalt  }
0x57: {  	_ =	shalt  }
0x58: {  	_ =	shalt  }
0x59: {  	_ =	shalt  }
0x5a: {  	_ =	shalt  }
0x5b: {  	_ =	shalt  }
0x5c: {  	_ =	shalt  }
0x5d: {  	_ =	shalt  }
0x5e: {  	_ =	shalt  }
0x5f: {  	_ =	shalt  }
0x60: {  	_ =	shalt  }
0x61: {  	_ =	shalt  }
0x62: {  	_ =	shalt  }
0x63: {  	_ =	shalt  }
0x64: {  	_ =	shalt  }
0x65: {  	_ =	shalt  }
0x66: {  	_ =	shalt  }
0x67: {  	_ =	shalt  }
0x68: {  	_ =	shalt  }
0x69: {  	_ =	shalt  }
0x6a: {  	_ =	shalt  }
0x6b: {  	_ =	shalt  }
0x6c: {  	_ =	shalt  }
0x6d: {  	_ =	shalt  }
0x6e: {  	_ =	shalt  }
0x6f: {  	_ =	shalt  }
0x70: {  	_ =	shalt  }
0x71: {  	_ =	shalt  }
0x72: {  	_ =	shalt  }
0x73: {  	_ =	shalt  }
0x74: {  	_ =	shalt  }
0x75: {  	_ =	shalt  }
0x76: {  	_ =	shalt  }
0x77: {  	_ =	shalt  }
0x78: {  	_ =	shalt  }
0x79: {  	_ =	shalt  }
0x7a: {  	_ =	shalt  }
0x7b: {  	_ =	shalt  }
0x7c: {  	_ =	shalt  }
0x7d: {  	_ =	shalt  }
0x7e: {  	_ =	shalt  }
0x7f: {  	_ =	shalt  }
0x80: {  	_ =	shalt  }
0x81: {  	_ =	shalt  }
0x82: {  	_ =	shalt  }
0x83: {  	_ =	shalt  }
0x84: {  	_ =	shalt  }
0x85: {  	_ =	shalt  }
0x86: {  	_ =	shalt  }
0x87: {  	_ =	shalt  }
.Lfunc_end0:
.L_simem_size_0:
called_computation_lowered:
.L_overlay_start_0:
0x88: {  	s2 =	sld [smem:$0x3FD9]  }
0x89: {  	s3 =	sld [smem:$0x3FFE];
	_ =	sdelay $0x1  }
0x8a: {  	s1 =	srdreg.scid  }
0x8b: {  	s0 =	sand.u32 $0x1, s1  }
0x8c: {  	s17 =	sshll.u32 s0, $0xA;
	s2 =	sadd.s32 s3, s2  }
0x8d: {  	s2 =	sadd.s32 s2, s17  }
0x8e: {  	[smem:$0x3FC2] =	sst s2  }
0x8f: {  	_ = 	snop  }
0x90: {  	s2 =	sld [smem:$0x3FD0];
	(tm) =	ssettm $0x1  }
0x91: {  	s18 =	sld [smem:$0x3FFB];
	_ =	sdelay $0x3  }
0x92: {  	_ =	strace s18  }
0x93: {  	s3 =	sld [smem:$0x3FFC];
	_ =	sdelay $0x3  }
0x94: {  	_ =	strace s3  }
0x95: {  	s3 =	sld [smem:$0x3FFD];
	_ =	sdelay $0x3  }
0x96: {  	_ =	strace s3  }
0x97: {  	_ =	strace $0x8FFFFFFF  }
0x98: {  	s19 =	sld [smem:$0x3FDB];
	_ =	sdelay $0x1  }
0x99: {  	s4 =	simm.s32 $_scs_section_size  }
0x9a: {  	s5 =	simm.s32 $_size__tile_overlayer_lowered;
	s6 =	simm.s32 $_tile_overlayer_lowered  }
0x9b: {  	s22 =	simm.s32 $0x1BFF;
	s21 =	sshll.u32 s6, $0x1;
	s3 =	sadd.s32 s4, s19  }
0x9c: {  	s7 =	simm.s32 $0x0;
	s20 =	sshll.u32 s5, $0x1;
	s5 =	sadd.s32 s21, s3  }
0x9d: {  	[timem:s7], [sflag:s22] =	dma.local [hbm:s5], s20  }
0x9e: {  	_ =	swait.ge [sflag:s22], s20  }
0x9f: {  	s4 =	ssub.s32 $0x0, s20;
	[sflag:s22] =	ssyncset.done $0x0  }
0xa0: {  	[sflag:s22] =	ssyncadd.s32 s4;
	_ =	sdelay $0x1  }
0xa1: {  	s23 =	simm.s32 $0x1B8B  }
0xa2: {  	_ =	swait.ge [sflag:s23], $0x1  }
0xa3: {  	[sflag:s23] =	ssyncset.done $0x0  }
0xa4: {  	s25 =	simm.s32 $0x1B8E;
	s24 =	sld [smem:$0x3FFE];
	[sflag:s23] =	ssyncadd.s32 $0xFFFFFFFF  }
0xa5: {  	s26 =	simm.s32 $execute0_lowered;
	[smem:$0x3FD2] =	sst s25  }
0xa6: {  	s5 =	sshll.u32 s26, $0x1;
	_ =	strace $0x80000046;
	[dreg:$0x1] =	wrdreg $0xFFFFFFFF  }
0xa7: {  	s28 =	simm.s32 $_size_execute0_lowered;
	s3 =	sadd.s32 s3, s5;
	[dreg:$0x0] =	wrdreg $0x0  }
0xa8: {  	s5 =	sshll.u32 s28, $0x1;
	[dreg:$0x2] =	wrdreg s3  }
0xa9: {  	[dreg:$0x3] =	wrdreg s5  }
0xaa: {  	[dreg:$0x4] =	wrdreg $0xC0  }
0xab: {  	_ =	task [dreg:s7], $0x5FFFF  }
0xac: {  	[dreg:$0x1] =	wrdreg $0xFFFFFFFF  }
0xad: {  	[dreg:$0x0] =	wrdreg $0x60  }
0xae: {  	[dreg:$0x2] =	wrdreg s24  }
0xaf: {  	[dreg:$0x3] =	wrdreg s2  }
0xb0: {  	[dreg:$0x4] =	wrdreg $0x33900  }
0xb1: {  	[dreg:$0x5] =	wrdreg $0x9  }
0xb2: {  	_ =	task.clear_ibuf [dreg:s7], $0x6FFFF;
	_ =	strace $0x90000046  }
0xb3: {  	s29 =	simm.s32 $0x9;
	_ =	strace $0x80000048  }
0xb4: {  	_ =	swait.ge [sflag:s29], $0x1  }
0xb5: {  	[sflag:s29] =	ssyncadd.s32 $0xFFFFFFFF  }
0xb6: {  	_ =	strace $0x90000048  }
0xb7: {  	_ =	sfence  }
0xb8: {  	s30 =	sld [smem:$0x0];
	_ =	sdelay $0x2  }
0xb9: {  	s31 =	sshll.u32 s1, $0xD;
	s1 =	sshrl.u32 s1, $0x2  }
0xba: {  	s3 =	sand.u32 $0x4000, s31;
	s1 =	sadd.s32 s1, s30  }
0xbb: {  	s0 =	sor.u32 s3, s0;
	s1 =	sshll.u32 s1, $0x11  }
0xbc: {  	s0 =	sor.u32 s1, s0  }
0xbd: {  	s0 =	sadd.s32 $0x8F2B, s0  }
0xbe: {  	[sflag:s0] =	ssyncadd.remote.s32 $0x1  }
0xbf: {  	_ =	sfence.sel $0xFFFF  }
0xc0: {  	[dreg:$0x0] =	wrdreg $0xFFFFFFFF;
	(pc) =	sbr.abs _section_cstart, $3  }
0xc1: {  	[dreg:$0x1] =	wrdreg $0xFFFFFFFF  }
0xc2: {  	_ =	task.clear_ibuf [dreg:s7], $0x2FFFF;
	_ =	strace $0x9FFFFFFF  }
0xc3: {  	(tm) =	ssettm $0x7FFFFFFF  }
tec
execute0_lowered:
.L_overlay_start_1:
0x0: {  	(tag) =	ssettag $0x1  }
0x1: {  	s5 =	rddreg [dreg:$0x0]  }
0x2: {  	s0 =	srdreg.scid;
	s6 =	rddreg [dreg:$0x1]  }
0x3: {  	s1 =	rddreg [dreg:$0x2];
	s8 =	stileid.u32;
	s2 =	simm.s32 $0x0  }
0x4: {  	s12 =	simm.s32 $0x0;
	s4 =	sand.u32 $0x1, s0;
	s0 =	rddreg [dreg:$0x3]  }
0x5: {  	[smem:$0x7FF] =	sst s2;
	p0 =	sne.s32 s8, $0x0;
	s3 =	sshll.u32 s4, $0x4  }
0x6: {  	_ =	strace $0x80000047;
	s11 =	smul.u32 $0x2710, s4;
	s3 =	sor.u32 s8, s3  }
0x7: {  	s9 =	ssub.s32 $0x2, s4;
	s4 =	sadd.s32 $0x18000, s5;
	s7 =	smul.u32 $0x2710, s3  }
0x8: {  	s10 =	sshrl.u32 s9, $0x1;
	s8 =	simm.s32 $0x1;
	s3 =	sadd.s32 $0x15800, s5  }
0x9: {  	s9 =	ssub.s32 s9, s10;
	s6 =	sadd.s32 s6, s11;
	s7 =	sshrl.u32 s7, $0x3  }
0xa: {  	s10 =	sshrl.u32 @!p0 s1, $0x3;
	s11 =	simm.s32 $0x190;
	s5 =	sadd.s32 s5, s7  }
0xb: {  	s7 =	smax.u32 s9, $0x1;
	s9 =	simm.s32 $0x2710;
	s5 =	sadd.s32 $0xBA40, s5  }
.LBB2_1:
0xc: {  	[tilespmem:s2], [sflag:$0x1] =	stream.linear.gather [hbm4b:s5+s2], $0x2710, $0x38;
	[tilespmem:$0x3608] =	vst v63  }
0xd: {  	_ =	swait.ge [sflag:s8], $0x2710  }
0xe: {  	[sflag:s8] =	ssyncset.done $0x0  }
0xf: {  	[sflag:s8] =	ssyncadd.s32 $0xFFFFD8F0  }
0x10: {  	[tilespmem:s9], [sflag:$0x1] =	stream.linear.gather [hbm4b:s4+s2], $0xC80, $0x38;
	[tilespmem:$0x3608] =	vst v63  }
0x11: {  	_ =	swait.ge [sflag:s8], $0xC80  }
0x12: {  	[sflag:s8] =	ssyncset.done $0x0  }
0x13: {  	s13 =	simm.s32 @!p0 $0x1C01;
	[sflag:s8] =	ssyncadd.s32 $0xFFFFF380  }
0x14: {  	[spmem:s10], [sflag:s13] =	dma.local @!p0 [hbm:s3], $0x2710  }
0x15: {  	s13 =	simm.s32 @!p0 $0x1  }
0x16: {  	_ =	swait.ge @!p0 [sflag:s13], $0x2710  }
0x17: {  	[sflag:s13] =	ssyncset.done @!p0 $0x0  }
0x18: {  	[sflag:s13] =	ssyncadd.s32 @!p0 $0xFFFFD8F0  }
0x19: {  	s31 =	simm.s32 $0x0;
	[bflag:$0x0] =	sbarrier.arrive $0xFFFF  }
0x1a: {  	[spmem:s1] =	stream.indirect.scatter.add.f32 [tilespmem:s9], [sflag:$0x1], $0x1, s31, s11, $0xb8;
	[tilespmem:$0x3608] =	vst v63  }
0x1b: {  	_ =	swait.ge [sflag:s8], $0x190  }
0x1c: {  	s13 =	simm.s32 $0x640;
	[sflag:s8] =	ssyncset.done $0x0  }
.LBB2_2:
0x1d: {  	s14 =	sshra.s32 s13, $0x2;
	[sflag:s8] =	ssyncadd.s32 $0xFFFFFE70;
	p1 =	sne.s32 s13, $0x9600  }
0x1e: {  	[spmem:s1] =	stream.indirect.scatter.add.f32 [tilespmem:s9], [sflag:$0x1], $0x1, s14, s11, $0xb8;
	[tilespmem:$0x3608] =	vst v63  }
.Ltmp0:
0x1f: {  	_ = 	snop;
	(pc) =	sbr.rel @p1 .LBB2_2-.Ltmp0, $4  }
0x20: {  	_ = 	snop  }
0x21: {  	s13 =	sadd.s32 $0x640, s13  }
0x22: {  	_ =	swait.ge [sflag:s8], $0x190  }
0x23: {  	[sflag:s8] =	ssyncset.done $0x0  }
0x24: {  	[sflag:s8] =	ssyncadd.s32 $0xFFFFFE70;
	s12 =	sadd.s32 $0x1, s12  }
0x25: {  	s13 =	simm.s32 @!p0 $0x1C01;
	[bflag:$0x0] =	sbarrier.arrive $0xFFFF;
	p1 =	sne.s32 s12, s7  }
0x26: {  	[hbm:s6], [sflag:s13] =	dma.local @!p0 [spmem:s10], $0x2710  }
.Ltmp1:
0x27: {  	_ = 	snop;
	(pc) =	sbr.rel @p1 .LBB2_1-.Ltmp1, $4  }
0x28: {  	s13 =	simm.s32 @!p0 $0x1  }
0x29: {  	_ =	swait.ge @!p0 [sflag:s13], $0x2710  }
0x2a: {  	[sflag:s13] =	ssyncset.done @!p0 $0x0  }
0x2b: {  	[sflag:s13] =	ssyncadd.s32 @!p0 $0xFFFFD8F0  }
0x2c: {  	_ =	sfence.sel $0x180000  }
0x2d: {  	[bflag:$0x0] =	sbarrier.arrive $0xFFFF  }
0x2e: {  	_ =	strace $0x90000047  }
0x2f: {  	s0 =	sadd.s32 @!p0 $0x100000, s0;
	[bflag:$0x2] =	sbarrier.arrive $0xFFFF  }
0x30: {  	[sflag:s0] =	ssyncadd.tile.s32 @!p0 $0x1;
	_ =	shalt  }
.Lfunc_end2:
_tile_overlayer_lowered:
.L_overlay_start_2:
0x31: {  	(tag) =	ssettag $0x2  }
0x32: {  	s0 =	rddreg [dreg:$0x0];
	s2 =	stileid.u32  }
0x33: {  	s1 =	rddreg [dreg:$0x1];
	p0 =	sne.s32 s2, $0x0  }
0x34: {  	s3 =	rddreg [dreg:$0x2];
	[bflag:$0x3] =	sbarrier.arrive $0xFFFF;
	s2 =	simm.s32 @!p0 $0x1C01  }
0x35: {  	[timem:s3], [sflag:s2] =	dma.local @!p0 [hbm:s0], s1  }
0x36: {  	s0 =	simm.s32 @!p0 $0x1  }
0x37: {  	_ =	swait.ge @!p0 [sflag:s0], s1  }
0x38: {  	s1 =	ssub.s32 @!p0 $0x0, s1;
	[sflag:s0] =	ssyncset.done @!p0 $0x0  }
0x39: {  	[sflag:s0] =	ssyncadd.s32 @!p0 s1  }
0x3a: {  	[bflag:$0x3] =	sbarrier.arrive $0xFFFF  }
0x3b: {  	_ =	shalt  }

</sc_bundles>
